<compile_context>
chip_gen: v7x
topology: tpu7x:2x2x1
jax: 0.10.2.dev20260603
libtpu: 0.0.44.dev20260713+nightly
codegen_flags: <defaults>
</compile_context>

<pallas_src>
import functools

import jax
import jax.numpy as jnp
from jax import lax
from jax.experimental import pallas as pl
from jax.experimental.pallas import tpu as pltpu
from jax.experimental.pallas import tpu_sc as plsc

N_NODES = 50000
NP = 2 * N_NODES
NP2 = 100352
SLICE = NP2 // 16
NW = 32
S = 512
GROUPS = S // 16
R1 = S // 128
PROWS = 8 * R1
CG_ITERS_K = 32


def _make_sc_matvec(nsub):
    mesh = plsc.VectorSubcoreMesh(core_axis_name="c", subcore_axis_name="s")
    half = nsub // 2

    @functools.partial(
        pl.kernel,
        out_type=jax.ShapeDtypeStruct((2, NP2), jnp.float32),
        mesh=mesh,
        compiler_params=pltpu.CompilerParams(needs_layout_passes=False),
        scratch_types=[
            pltpu.VMEM((NP,), jnp.float32),
            pltpu.VMEM((PROWS, 128), jnp.int32),
            pltpu.VMEM((S,), jnp.float32),
            pltpu.VMEM((S,), jnp.float32),
            pltpu.VMEM((PROWS, 128), jnp.int32),
            pltpu.VMEM((S,), jnp.float32),
            pltpu.VMEM((S,), jnp.float32),
            pltpu.VMEM((SLICE,), jnp.float32),
            pltpu.VMEM_SHARED((NP2,), jnp.float32),
            pltpu.SemaphoreType.DMA,
            pltpu.SemaphoreType.DMA,
        ],
    )
    def sc_matvec(v_hbm, pk_hbm, out_hbm,
                  v_v, pk_a, v0_a, v1_a, pk_b, v0_b, v1_b,
                  buf_v, acc, ssem, csem):
        cid = lax.axis_index("c")
        sid = lax.axis_index("s")
        wid = cid * 16 + sid

        def fire_stage(sub, pk_v):
            row = pl.multiple_of((wid * nsub + sub) * PROWS, 8)
            pltpu.async_copy(pk_hbm.at[pl.ds(row, PROWS)], pk_v, ssem)

        def drain_stage():
            pltpu.make_async_copy(pk_hbm.at[pl.ds(0, PROWS)], pk_a,
                                  ssem).wait()

        def compute(pk_v, v0_v, v1_v):
            def g_body(g, cc):
                o = g * 16
                r = g // 8
                c = (g % 8) * 16
                jv = pk_v[r, pl.ds(c, 16)]
                vj0 = plsc.load_gather(v_v, [jv])
                vj1 = plsc.load_gather(v_v, [jv + 1])
                h00 = plsc.bitcast(pk_v[3 * R1 + r, pl.ds(c, 16)],
                                   jnp.float32)
                h01 = plsc.bitcast(pk_v[4 * R1 + r, pl.ds(c, 16)],
                                   jnp.float32)
                h10 = plsc.bitcast(pk_v[5 * R1 + r, pl.ds(c, 16)],
                                   jnp.float32)
                h11 = plsc.bitcast(pk_v[6 * R1 + r, pl.ds(c, 16)],
                                   jnp.float32)
                v0_v[pl.ds(o, 16)] = h00 * vj0 + h01 * vj1
                v1_v[pl.ds(o, 16)] = h10 * vj0 + h11 * vj1
                return cc
            lax.fori_loop(0, GROUPS, g_body, 0)

        def fire_scatter(pk_v, v0_v, v1_v):
            def sb(k, cc):
                pltpu.async_copy(v0_v.at[pl.ds(k * 128, 128)],
                                 acc.at[pk_v.at[R1 + k]], csem, add=True)
                pltpu.async_copy(v1_v.at[pl.ds(k * 128, 128)],
                                 acc.at[pk_v.at[2 * R1 + k]], csem, add=True)
                return cc
            lax.fori_loop(0, R1, sb, 0)

        def drain_scatter():
            cp = pltpu.make_async_copy(v_hbm.at[pl.ds(0, S)], v0_a, csem)
            cp.wait()
            cp.wait()

        def zbody(k, c):
            buf_v[pl.ds(k * 16, 16)] = jnp.zeros((16,), jnp.float32)
            return c
        lax.fori_loop(0, SLICE // 16, zbody, 0)
        pltpu.sync_copy(buf_v, acc.at[pl.ds(sid * SLICE, SLICE)])
        pltpu.sync_copy(v_hbm.at[pl.ds(0, NP)], v_v)
        plsc.subcore_barrier()

        fire_stage(0, pk_a)

        def body(p, c):
            sub0 = p * 2
            drain_stage()
            compute(pk_a, v0_a, v1_a)

            @pl.when(p > 0)
            def _():
                drain_scatter()
            fire_stage(sub0 + 1, pk_b)
            fire_scatter(pk_a, v0_a, v1_a)
            drain_stage()
            compute(pk_b, v0_b, v1_b)
            drain_scatter()

            @pl.when(p + 1 < half)
            def _():
                fire_stage(sub0 + 2, pk_a)
            fire_scatter(pk_b, v0_b, v1_b)
            return c
        lax.fori_loop(0, half, body, 0)
        drain_scatter()

        plsc.subcore_barrier()
        pltpu.sync_copy(acc.at[pl.ds(sid * SLICE, SLICE)], buf_v)
        pltpu.sync_copy(buf_v, out_hbm.at[cid, pl.ds(sid * SLICE, SLICE)])

    return sc_matvec


def _tc_init_body(apk2_ref, b_ref, r_ref, p_ref):
    r = apk2_ref[0] + apk2_ref[1] - b_ref[...]
    r_ref[...] = r
    p_ref[...] = -r


def _tc_init(apk2, b):
    shp = jax.ShapeDtypeStruct((NP2 // 128, 128), jnp.float32)
    return pl.pallas_call(_tc_init_body, out_shape=(shp, shp))(apk2, b)


def _tc_update_body(apk2_ref, pk_ref, rk_ref, xk_ref, xo_ref, ro_ref, po_ref):
    apk = apk2_ref[0] + apk2_ref[1]
    rk = rk_ref[...]
    pk = pk_ref[...]
    rkrk = jnp.sum(rk * rk)
    alpha = rkrk / jnp.sum(pk * apk)
    xo_ref[...] = xk_ref[...] + alpha * pk
    rn = rk + alpha * apk
    ro_ref[...] = rn
    beta = jnp.sum(rn * rn) / rkrk
    po_ref[...] = -rn + beta * pk


def _tc_update(apk2, pk, rk, xk):
    shp = jax.ShapeDtypeStruct((NP2 // 128, 128), jnp.float32)
    return pl.pallas_call(_tc_update_body,
                          out_shape=(shp, shp, shp))(apk2, pk, rk, xk)


def kernel(H, B, x0, i, j):
    f32 = jnp.float32
    i32 = jnp.int32
    e = i.shape[0]
    per_w = -(-e // (NW * 2 * S)) * 2 * S
    e_pad = per_w * NW
    nsub = per_w // S
    pad = e_pad - e
    nchunk = e_pad // S

    def padded(x, fill):
        return jnp.concatenate([x, jnp.full((pad,), fill, x.dtype)])

    cast = lambda h: lax.bitcast_convert_type(h, i32)
    i2 = padded(2 * i, NP2 - 2)
    packed = jnp.stack([
        padded(2 * j, 0).reshape(nchunk, S),
        i2.reshape(nchunk, S),
        (i2 + 1).reshape(nchunk, S),
        padded(cast(H[:, 0, 0]), 0).reshape(nchunk, S),
        padded(cast(H[:, 0, 1]), 0).reshape(nchunk, S),
        padded(cast(H[:, 1, 0]), 0).reshape(nchunk, S),
        padded(cast(H[:, 1, 1]), 0).reshape(nchunk, S),
        jnp.zeros((nchunk, S), i32),
    ], axis=1).reshape(nchunk * PROWS, 128)

    bp = jnp.pad(B, (0, NP2 - NP)).reshape(NP2 // 128, 128)
    x0p = jnp.pad(x0, (0, NP2 - NP))

    sc_matvec = _make_sc_matvec(nsub)

    def matvec(v):
        out = sc_matvec(v, packed)
        return out.reshape(2, NP2 // 128, 128)

    rk, pk = _tc_init(matvec(x0p), bp)
    xk = x0p.reshape(NP2 // 128, 128)

    def body(carry, _):
        xk, rk, pk = carry
        apk2 = matvec(pk.reshape(NP2))
        xk, rk, pk = _tc_update(apk2, pk, rk, xk)
        return (xk, rk, pk), None

    (xk, rk, pk), _ = lax.scan(body, (xk, rk, pk), None, length=CG_ITERS_K)
    return xk.reshape(NP2)[:NP]

# --- scband reference (transcript-rebuilt; emitter-appended) ---
"""Pipeline reference for scband-implicit-iterative-shift-module-47021301957203 (READ-ONLY COPY).

The authoritative reference and input builder live on the scoring server;
editing this copy changes nothing except your own understanding.
"""

import jax, jax.numpy as jnp
import numpy as np

N = 50000
E_HALF = 775000
CG_ITERS = 32


def setup_inputs(seed: int = 0) -> dict:
    key = jax.random.key(seed)
    k1, k2, k3, k4, k5 = jax.random.split(key, 5)
    # Build a symmetric, diagonally-dominant block system so CG behaves like the
    # real SPH shifting Hessian (symmetric PSD-ish) instead of diverging on pure noise.
    i0 = jax.random.randint(k4, (E_HALF,), 0, N, dtype=jnp.int32)
    j0 = jax.random.randint(k5, (E_HALF,), 0, N, dtype=jnp.int32)
    H0 = 0.1 * jax.random.normal(k1, (E_HALF, 2, 2), dtype=jnp.float32)
    Hrev = jnp.swapaxes(H0, 1, 2)
    Hdiag = jnp.tile(10.0 * jnp.eye(2, dtype=jnp.float32)[None], (N, 1, 1))
    ar = jnp.arange(N, dtype=jnp.int32)
    H = jnp.concatenate([H0, Hrev, Hdiag], axis=0)
    i = jnp.concatenate([i0, j0, ar], axis=0)
    j = jnp.concatenate([j0, i0, ar], axis=0)
    B = jax.random.normal(k2, (2 * N,), dtype=jnp.float32)
    x0 = jax.random.uniform(k3, (2 * N,), dtype=jnp.float32) * 0.25
    return {"H": H, "B": B, "x0": x0, "i": i, "j": j}


def _matvec(H, v, i, j, nP):
    # Interleaved layout: v[2n] = x-comp of particle n, v[2n+1] = y-comp.
    vj0 = v[2 * j]
    vj1 = v[2 * j + 1]
    r0 = jax.ops.segment_sum(H[:, 0, 0] * vj0, i, num_segments=nP) \
       + jax.ops.segment_sum(H[:, 0, 1] * vj1, i, num_segments=nP)
    r1 = jax.ops.segment_sum(H[:, 1, 0] * vj0, i, num_segments=nP) \
       + jax.ops.segment_sum(H[:, 1, 1] * vj1, i, num_segments=nP)
    out = jnp.zeros_like(v)
    out = out.at[0::2].set(r0)
    out = out.at[1::2].set(r1)
    return out


def reference(H, B, x0, i, j):
    # Faithful port of LinearCG: scatter/gather-based CG on the interleaved 2N system.
    # The torch original caps at 32 iterations (tol break never fires on dense noise),
    # so we run the fixed 32-iteration schedule.
    nP = x0.shape[0] // 2
    xk = x0
    rk = _matvec(H, xk, i, j, nP) - B
    pk = -rk

    def body(carry, _):
        xk, rk, pk = carry
        apk = _matvec(H, pk, i, j, nP)
        rkrk = jnp.dot(rk, rk)
        alpha = rkrk / jnp.dot(pk, apk)
        xk = xk + alpha * pk
        rk = rk + alpha * apk
        beta = jnp.dot(rk, rk) / rkrk
        pk = -rk + beta * pk
        return (xk, rk, pk), None

    (xk, rk, pk), _ = jax.lax.scan(body, (xk, rk, pk), None, length=CG_ITERS)
    return xk

if __name__ == "__main__":
    import jax
    _d = setup_inputs()
    print(jax.jit(kernel)(*tuple(_d.values())))

</pallas_src>

<mosaic_0001>
#map = affine_map<(d0, d1) -> (0)>
#map1 = affine_map<(d0, d1) -> (0, 0)>
module attributes {stable_mosaic.version = 14 : i64} {
  func.func @sc_matvec(%arg0: i32, %arg1: i32, %arg2: memref<100352xf32, #tpu.memory_space<hbm>>, %arg3: memref<100352x128xi32, #tpu.memory_space<hbm>>, %arg4: memref<2x100352xf32, #tpu.memory_space<hbm>>, %arg5: memref<100000xf32, #tpu.memory_space<vmem>>, %arg6: memref<32x128xi32, #tpu.memory_space<vmem>>, %arg7: memref<512xf32, #tpu.memory_space<vmem>>, %arg8: memref<512xf32, #tpu.memory_space<vmem>>, %arg9: memref<32x128xi32, #tpu.memory_space<vmem>>, %arg10: memref<512xf32, #tpu.memory_space<vmem>>, %arg11: memref<512xf32, #tpu.memory_space<vmem>>, %arg12: memref<6272xf32, #tpu.memory_space<vmem>>, %arg13: memref<100352xf32, #tpu.memory_space<vmem_shared>>, %arg14: memref<!tpu.dma_semaphore, #tpu.memory_space<semaphore_mem>>, %arg15: memref<!tpu.dma_semaphore, #tpu.memory_space<semaphore_mem>>) attributes {dimension_semantics = [#tpu.dimension_semantics<core_parallel>, #tpu.dimension_semantics<subcore_parallel>], iteration_bounds = array<i64: 2, 16>, scalar_prefetch = 0 : i64, scratch_operands = 11 : i64, tpu.core_type = #tpu.core_type<sc_vector_subcore>, window_params = [{transform_indices = #map}, {transform_indices = #map1}, {transform_indices = #map1}]} {
    %mul3A = arith.constant 16 : i32
    %mul3A_0 = arith.muli %arg0, %mul3A : i32
    %add3A = arith.addi %mul3A_0, %arg1 : i32
    %scan3A = arith.constant 0 : i32
    %scan3A_1 = arith.constant 0 : i32
    %scan3A_2 = arith.constant 392 : i32
    %scan3A_3 = arith.addi %scan3A_1, %scan3A_2 : i32
    %scan3A_4 = arith.constant 1 : i32
    scf.for %scan3A_35 = %scan3A_1 to %scan3A_3 step %scan3A_4  : i32 {
      %broadcast_in_dim3A = arith.constant 0.000000e+00 : f32
      %broadcast_in_dim3A_36 = vector.broadcast %broadcast_in_dim3A : f32 to vector<16xf32>
      %mul3A_37 = arith.constant 16 : i32
      %mul3A_38 = arith.muli %scan3A_35, %mul3A_37 : i32
      %swap3A = arith.index_cast %mul3A_38 : i32 to index
      %swap3A_39 = tpu.vector_load %arg12[%swap3A] {strides = array<i32>} : memref<6272xf32, #tpu.memory_space<vmem>>, vector<16xf32>,
      tpu.vector_store %arg12[%swap3A], %broadcast_in_dim3A_36 {strides = array<i32>} : memref<6272xf32, #tpu.memory_space<vmem>>, vector<16xf32>,
    }
    %scan3A_5 = arith.constant 392 : i32
    %mul3A_6 = arith.constant 6272 : i32
    %mul3A_7 = arith.muli %arg1, %mul3A_6 : i32
    "tpu.region"() ({
      %run_scoped3A = tpu.sem_alloc : memref<!tpu.dma_semaphore, #tpu.memory_space<semaphore_mem>>
      %dma_start3A_35 = tpu.memref_slice %arg13[%mul3A_7] : memref<100352xf32, #tpu.memory_space<vmem_shared>> -> memref<6272xf32, #tpu.memory_space<vmem_shared>>
      %dma_start3A_36 = tpu.memref_slice %arg13[%mul3A_7] : memref<100352xf32, #tpu.memory_space<vmem_shared>> -> memref<6272xf32, #tpu.memory_space<vmem_shared>>
      tpu.enqueue_dma source(%arg12 : memref<6272xf32, #tpu.memory_space<vmem>>) target(%dma_start3A_36 : memref<6272xf32, #tpu.memory_space<vmem_shared>>) target_semaphore(%run_scoped3A : memref<!tpu.dma_semaphore, #tpu.memory_space<semaphore_mem>>)
      %dma_wait3A_37 = tpu.memref_slice %arg13[%mul3A_7] : memref<100352xf32, #tpu.memory_space<vmem_shared>> -> memref<6272xf32, #tpu.memory_space<vmem_shared>>
      %dma_wait3A_38 = tpu.memref_slice %arg13[%mul3A_7] : memref<100352xf32, #tpu.memory_space<vmem_shared>> -> memref<6272xf32, #tpu.memory_space<vmem_shared>>
      tpu.wait_dma2 semaphore(%run_scoped3A : memref<!tpu.dma_semaphore, #tpu.memory_space<semaphore_mem>>) src(%arg12 : memref<6272xf32, #tpu.memory_space<vmem>>) dst(%dma_wait3A_38 : memref<6272xf32, #tpu.memory_space<vmem_shared>>)
      tpu.yield
    }) : () -> ()
    "tpu.region"() ({
      %run_scoped3A = tpu.sem_alloc : memref<!tpu.dma_semaphore, #tpu.memory_space<semaphore_mem>>
      %dma_start3A_35 = arith.constant 0 : i32
      %dma_start3A_36 = tpu.memref_slice %arg2[%dma_start3A_35] : memref<100352xf32, #tpu.memory_space<hbm>> -> memref<100000xf32, #tpu.memory_space<hbm>>
      %dma_start3A_37 = arith.constant 0 : i32
      %dma_start3A_38 = tpu.memref_slice %arg2[%dma_start3A_37] : memref<100352xf32, #tpu.memory_space<hbm>> -> memref<100000xf32, #tpu.memory_space<hbm>>
      tpu.enqueue_dma source(%dma_start3A_38 : memref<100000xf32, #tpu.memory_space<hbm>>) target(%arg5 : memref<100000xf32, #tpu.memory_space<vmem>>) target_semaphore(%run_scoped3A : memref<!tpu.dma_semaphore, #tpu.memory_space<semaphore_mem>>)
      %dma_wait3A_39 = arith.constant 0 : i32
      %dma_wait3A_40 = tpu.memref_slice %arg2[%dma_wait3A_39] : memref<100352xf32, #tpu.memory_space<hbm>> -> memref<100000xf32, #tpu.memory_space<hbm>>
      %dma_wait3A_41 = arith.constant 0 : i32
      %dma_wait3A_42 = tpu.memref_slice %arg2[%dma_wait3A_41] : memref<100352xf32, #tpu.memory_space<hbm>> -> memref<100000xf32, #tpu.memory_space<hbm>>
      tpu.wait_dma2 semaphore(%run_scoped3A : memref<!tpu.dma_semaphore, #tpu.memory_space<semaphore_mem>>) src(%dma_wait3A_42 : memref<100000xf32, #tpu.memory_space<hbm>>) dst(%arg5 : memref<100000xf32, #tpu.memory_space<vmem>>)
      tpu.yield
    }) : () -> ()
    %barrier3A = arith.constant 0 : index
    tpu.barrier barrier_id(%barrier3A)
    %mul3A_8 = arith.constant 98 : i32
    %mul3A_9 = arith.muli %add3A, %mul3A_8 : i32
    %add3A_10 = arith.constant 0 : i32
    %add3A_11 = arith.addi %mul3A_9, %add3A_10 : i32
    %mul3A_12 = arith.constant 32 : i32
    %mul3A_13 = arith.muli %add3A_11, %mul3A_12 : i32
    %multiple_of3A = tpu.assume_multiple %mul3A_13, 8 : i32
    %dma_start3A = arith.constant 0 : i32
    %dma_start3A_14 = tpu.memref_slice %arg3[%multiple_of3A, %dma_start3A] : memref<100352x128xi32, #tpu.memory_space<hbm>> -> memref<32x128xi32, #tpu.memory_space<hbm>>
    %dma_start3A_15 = arith.constant 0 : i32
    %dma_start3A_16 = tpu.memref_slice %arg3[%multiple_of3A, %dma_start3A_15] : memref<100352x128xi32, #tpu.memory_space<hbm>> -> memref<32x128xi32, #tpu.memory_space<hbm>>
    tpu.enqueue_dma source(%dma_start3A_16 : memref<32x128xi32, #tpu.memory_space<hbm>>) target(%arg6 : memref<32x128xi32, #tpu.memory_space<vmem>>) target_semaphore(%arg14 : memref<!tpu.dma_semaphore, #tpu.memory_space<semaphore_mem>>)
    %scan3A_17 = arith.constant 0 : i32
    %scan3A_18 = arith.constant 0 : i32
    %scan3A_19 = arith.constant 49 : i32
    %scan3A_20 = arith.addi %scan3A_18, %scan3A_19 : i32
    %scan3A_21 = arith.constant 1 : i32
    scf.for %scan3A_35 = %scan3A_18 to %scan3A_20 step %scan3A_21  : i32 {
      %mul3A_36 = arith.constant 2 : i32
      %mul3A_37 = arith.muli %scan3A_35, %mul3A_36 : i32
      %dma_wait3A_38 = arith.constant 0 : i32
      %dma_wait3A_39 = arith.constant 0 : i32
      %dma_wait3A_40 = tpu.memref_slice %arg3[%dma_wait3A_38, %dma_wait3A_39] : memref<100352x128xi32, #tpu.memory_space<hbm>> -> memref<32x128xi32, #tpu.memory_space<hbm>>
      %dma_wait3A_41 = arith.constant 0 : i32
      %dma_wait3A_42 = arith.constant 0 : i32
      %dma_wait3A_43 = tpu.memref_slice %arg3[%dma_wait3A_41, %dma_wait3A_42] : memref<100352x128xi32, #tpu.memory_space<hbm>> -> memref<32x128xi32, #tpu.memory_space<hbm>>
      tpu.wait_dma2 semaphore(%arg14 : memref<!tpu.dma_semaphore, #tpu.memory_space<semaphore_mem>>) src(%dma_wait3A_43 : memref<32x128xi32, #tpu.memory_space<hbm>>) dst(%arg6 : memref<32x128xi32, #tpu.memory_space<vmem>>)
      %scan3A_44 = arith.constant 0 : i32
      %scan3A_45 = arith.constant 0 : i32
      %scan3A_46 = arith.constant 32 : i32
      %scan3A_47 = arith.addi %scan3A_45, %scan3A_46 : i32
      %scan3A_48 = arith.constant 1 : i32
      scf.for %scan3A_102 = %scan3A_45 to %scan3A_47 step %scan3A_48  : i32 {
        %mul3A_103 = arith.constant 16 : i32
        %mul3A_104 = arith.muli %scan3A_102, %mul3A_103 : i32
        %jit3A = arith.constant 8 : i32
        %div3A = arith.divsi %scan3A_102, %jit3A : i32
        %sign3A = arith.constant 0 : i32
        %sign3A_105 = arith.cmpi sgt, %scan3A_102, %sign3A : i32
        %sign3A_106 = arith.extui %sign3A_105 : i1 to i32
        %sign3A_107 = arith.constant 0 : i32
        %sign3A_108 = arith.cmpi slt, %scan3A_102, %sign3A_107 : i32
        %sign3A_109 = arith.extui %sign3A_108 : i1 to i32
        %sign3A_110 = arith.subi %sign3A_106, %sign3A_109 : i32
        %sign3A_111 = arith.constant 0 : i32
        %sign3A_112 = arith.cmpi sgt, %jit3A, %sign3A_111 : i32
        %sign3A_113 = arith.extui %sign3A_112 : i1 to i32
        %sign3A_114 = arith.constant 0 : i32
        %sign3A_115 = arith.cmpi slt, %jit3A, %sign3A_114 : i32
        %sign3A_116 = arith.extui %sign3A_115 : i1 to i32
        %sign3A_117 = arith.subi %sign3A_113, %sign3A_116 : i32
        %ne3A = arith.cmpi ne, %sign3A_110, %sign3A_117 : i32
        %rem3A = arith.remsi %scan3A_102, %jit3A : i32
        %ne3A_118 = arith.constant 0 : i32
        %ne3A_119 = arith.cmpi ne, %rem3A, %ne3A_118 : i32
        %and3A = arith.andi %ne3A, %ne3A_119 : i1
        %sub3A = arith.constant 1 : i32
        %sub3A_120 = arith.subi %div3A, %sub3A : i32
        %select_n3A = arith.select %and3A, %sub3A_120, %div3A : i32
        %jit3A_121 = arith.constant 8 : i32
        %eq3A = arith.constant 0 : i32
        %eq3A_122 = arith.cmpi eq, %jit3A_121, %eq3A : i32
        %jit3A_123 = arith.constant 1 : i32
        %select_n3A_124 = arith.select %eq3A_122, %jit3A_123, %jit3A_121 : i32
        %rem3A_125 = arith.remsi %scan3A_102, %select_n3A_124 : i32
        %ne3A_126 = arith.constant 0 : i32
        %ne3A_127 = arith.cmpi ne, %rem3A_125, %ne3A_126 : i32
        %lt3A_128 = arith.constant 0 : i32
        %lt3A_129 = arith.cmpi slt, %rem3A_125, %lt3A_128 : i32
        %lt3A_130 = arith.constant 0 : i32
        %lt3A_131 = arith.cmpi slt, %select_n3A_124, %lt3A_130 : i32
        %ne3A_132 = arith.xori %lt3A_129, %lt3A_131 : i1
        %and3A_133 = arith.andi %ne3A_132, %ne3A_127 : i1
        %add3A_134 = arith.addi %rem3A_125, %select_n3A_124 : i32
        %select_n3A_135 = arith.select %and3A_133, %add3A_134, %rem3A_125 : i32
        %mul3A_136 = arith.constant 16 : i32
        %mul3A_137 = arith.muli %select_n3A_135, %mul3A_136 : i32
        %get3A = arith.index_cast %select_n3A : i32 to index
        %get3A_138 = arith.index_cast %mul3A_137 : i32 to index
        %get3A_139 = tpu.vector_load %arg6[%get3A, %get3A_138] {strides = array<i32>} : memref<32x128xi32, #tpu.memory_space<vmem>>, vector<16xi32>,
        %gather3A = tpu.vector_load_idx %arg5[%get3A_139] : memref<100000xf32, #tpu.memory_space<vmem>>[vector<16xi32>], vector<16xf32>,
        %add3A_140 = arith.constant 1 : i32
        %add3A_141 = vector.broadcast %add3A_140 : i32 to vector<16xi32>
        %add3A_142 = arith.addi %get3A_139, %add3A_141 : vector<16xi32>
        %gather3A_143 = tpu.vector_load_idx %arg5[%add3A_142] : memref<100000xf32, #tpu.memory_space<vmem>>[vector<16xi32>], vector<16xf32>,
        %add3A_144 = arith.constant 12 : i32
        %add3A_145 = arith.addi %add3A_144, %select_n3A : i32
        %get3A_146 = arith.index_cast %add3A_145 : i32 to index
        %get3A_147 = arith.index_cast %mul3A_137 : i32 to index
        %get3A_148 = tpu.vector_load %arg6[%get3A_146, %get3A_147] {strides = array<i32>} : memref<32x128xi32, #tpu.memory_space<vmem>>, vector<16xi32>,
        %bitcast3A = vector.bitcast %get3A_148 : vector<16xi32> to vector<16xf32>
        %add3A_149 = arith.constant 16 : i32
        %add3A_150 = arith.addi %add3A_149, %select_n3A : i32
        %get3A_151 = arith.index_cast %add3A_150 : i32 to index
        %get3A_152 = arith.index_cast %mul3A_137 : i32 to index
        %get3A_153 = tpu.vector_load %arg6[%get3A_151, %get3A_152] {strides = array<i32>} : memref<32x128xi32, #tpu.memory_space<vmem>>, vector<16xi32>,
        %bitcast3A_154 = vector.bitcast %get3A_153 : vector<16xi32> to vector<16xf32>
        %add3A_155 = arith.constant 20 : i32
        %add3A_156 = arith.addi %add3A_155, %select_n3A : i32
        %get3A_157 = arith.index_cast %add3A_156 : i32 to index
        %get3A_158 = arith.index_cast %mul3A_137 : i32 to index
        %get3A_159 = tpu.vector_load %arg6[%get3A_157, %get3A_158] {strides = array<i32>} : memref<32x128xi32, #tpu.memory_space<vmem>>, vector<16xi32>,
        %bitcast3A_160 = vector.bitcast %get3A_159 : vector<16xi32> to vector<16xf32>
        %add3A_161 = arith.constant 24 : i32
        %add3A_162 = arith.addi %add3A_161, %select_n3A : i32
        %get3A_163 = arith.index_cast %add3A_162 : i32 to index
        %get3A_164 = arith.index_cast %mul3A_137 : i32 to index
        %get3A_165 = tpu.vector_load %arg6[%get3A_163, %get3A_164] {strides = array<i32>} : memref<32x128xi32, #tpu.memory_space<vmem>>, vector<16xi32>,
        %bitcast3A_166 = vector.bitcast %get3A_165 : vector<16xi32> to vector<16xf32>
        %mul3A_167 = arith.mulf %bitcast3A, %gather3A : vector<16xf32>
        %mul3A_168 = arith.mulf %bitcast3A_154, %gather3A_143 : vector<16xf32>
        %add3A_169 = arith.addf %mul3A_167, %mul3A_168 : vector<16xf32>
        %swap3A = arith.index_cast %mul3A_104 : i32 to index
        %swap3A_170 = tpu.vector_load %arg7[%swap3A] {strides = array<i32>} : memref<512xf32, #tpu.memory_space<vmem>>, vector<16xf32>,
        tpu.vector_store %arg7[%swap3A], %add3A_169 {strides = array<i32>} : memref<512xf32, #tpu.memory_space<vmem>>, vector<16xf32>,
        %mul3A_171 = arith.mulf %bitcast3A_160, %gather3A : vector<16xf32>
        %mul3A_172 = arith.mulf %bitcast3A_166, %gather3A_143 : vector<16xf32>
        %add3A_173 = arith.addf %mul3A_171, %mul3A_172 : vector<16xf32>
        %swap3A_174 = arith.index_cast %mul3A_104 : i32 to index
        %swap3A_175 = tpu.vector_load %arg8[%swap3A_174] {strides = array<i32>} : memref<512xf32, #tpu.memory_space<vmem>>, vector<16xf32>,
        tpu.vector_store %arg8[%swap3A_174], %add3A_173 {strides = array<i32>} : memref<512xf32, #tpu.memory_space<vmem>>, vector<16xf32>,
      }
      %scan3A_49 = arith.constant 32 : i32
      %gt3A = arith.constant 0 : i32
      %gt3A_50 = arith.cmpi sgt, %scan3A_35, %gt3A : i32
      %convert_element_type3A = arith.extui %gt3A_50 : i1 to i32
      %cond3A = arith.constant 0 : i32
      %cond3A_51 = arith.cmpi ne, %convert_element_type3A, %cond3A : i32
      scf.if %cond3A_51 {
        %dma_wait3A_102 = arith.constant 0 : i32
        %dma_wait3A_103 = tpu.memref_slice %arg2[%dma_wait3A_102] : memref<100352xf32, #tpu.memory_space<hbm>> -> memref<512xf32, #tpu.memory_space<hbm>>
        %dma_wait3A_104 = arith.constant 0 : i32
        %dma_wait3A_105 = tpu.memref_slice %arg2[%dma_wait3A_104] : memref<100352xf32, #tpu.memory_space<hbm>> -> memref<512xf32, #tpu.memory_space<hbm>>
        tpu.wait_dma2 semaphore(%arg15 : memref<!tpu.dma_semaphore, #tpu.memory_space<semaphore_mem>>) src(%dma_wait3A_105 : memref<512xf32, #tpu.memory_space<hbm>>) dst(%arg7 : memref<512xf32, #tpu.memory_space<vmem>>)
        %dma_wait3A_106 = arith.constant 0 : i32
        %dma_wait3A_107 = tpu.memref_slice %arg2[%dma_wait3A_106] : memref<100352xf32, #tpu.memory_space<hbm>> -> memref<512xf32, #tpu.memory_space<hbm>>
        %dma_wait3A_108 = arith.constant 0 : i32
        %dma_wait3A_109 = tpu.memref_slice %arg2[%dma_wait3A_108] : memref<100352xf32, #tpu.memory_space<hbm>> -> memref<512xf32, #tpu.memory_space<hbm>>
        tpu.wait_dma2 semaphore(%arg15 : memref<!tpu.dma_semaphore, #tpu.memory_space<semaphore_mem>>) src(%dma_wait3A_109 : memref<512xf32, #tpu.memory_space<hbm>>) dst(%arg7 : memref<512xf32, #tpu.memory_space<vmem>>)
      } else {
      }
      %add3A_52 = arith.constant 1 : i32
      %add3A_53 = arith.addi %mul3A_37, %add3A_52 : i32
      %mul3A_54 = arith.constant 98 : i32
      %mul3A_55 = arith.muli %add3A, %mul3A_54 : i32
      %add3A_56 = arith.addi %mul3A_55, %add3A_53 : i32
      %mul3A_57 = arith.constant 32 : i32
      %mul3A_58 = arith.muli %add3A_56, %mul3A_57 : i32
      %multiple_of3A_59 = tpu.assume_multiple %mul3A_58, 8 : i32
      %dma_start3A_60 = arith.constant 0 : i32
      %dma_start3A_61 = tpu.memref_slice %arg3[%multiple_of3A_59, %dma_start3A_60] : memref<100352x128xi32, #tpu.memory_space<hbm>> -> memref<32x128xi32, #tpu.memory_space<hbm>>
      %dma_start3A_62 = arith.constant 0 : i32
      %dma_start3A_63 = tpu.memref_slice %arg3[%multiple_of3A_59, %dma_start3A_62] : memref<100352x128xi32, #tpu.memory_space<hbm>> -> memref<32x128xi32, #tpu.memory_space<hbm>>
      tpu.enqueue_dma source(%dma_start3A_63 : memref<32x128xi32, #tpu.memory_space<hbm>>) target(%arg9 : memref<32x128xi32, #tpu.memory_space<vmem>>) target_semaphore(%arg14 : memref<!tpu.dma_semaphore, #tpu.memory_space<semaphore_mem>>)
      %scan3A_64 = arith.constant 0 : i32
      %scan3A_65 = arith.constant 0 : i32
      %scan3A_66 = arith.constant 4 : i32
      %scan3A_67 = arith.addi %scan3A_65, %scan3A_66 : i32
      %scan3A_68 = arith.constant 1 : i32
      scf.for %scan3A_102 = %scan3A_65 to %scan3A_67 step %scan3A_68  : i32 {
        %mul3A_103 = arith.constant 128 : i32
        %mul3A_104 = arith.muli %scan3A_102, %mul3A_103 : i32
        %add3A_105 = arith.constant 4 : i32
        %add3A_106 = arith.addi %add3A_105, %scan3A_102 : i32
        %dma_start3A_107 = tpu.memref_slice %arg7[%mul3A_104] : memref<512xf32, #tpu.memory_space<vmem>> -> memref<128xf32, #tpu.memory_space<vmem>>
        %dma_start3A_108 = arith.constant 0 : i32
        %dma_start3A_109 = tpu.memref_slice %arg6[%add3A_106, %dma_start3A_108] : memref<32x128xi32, #tpu.memory_space<vmem>> -> memref<1x128xi32, #tpu.memory_space<vmem>>
        %dma_start3A_110 = tpu.memref_squeeze %dma_start3A_109 : memref<1x128xi32, #tpu.memory_space<vmem>> -> memref<128xi32, #tpu.memory_space<vmem>>
        %dma_start3A_111 = arith.constant 0 : i32
        %dma_start3A_112 = tpu.memref_slice %arg13[%dma_start3A_111] : memref<100352xf32, #tpu.memory_space<vmem_shared>> -> memref<100352xf32, #tpu.memory_space<vmem_shared>>
        tpu.enqueue_indirect_dma source(%dma_start3A_107 : memref<128xf32, #tpu.memory_space<vmem>>) target(%dma_start3A_112 : memref<100352xf32, #tpu.memory_space<vmem_shared>>) offsets(%dma_start3A_110 : memref<128xi32, #tpu.memory_space<vmem>>) semaphore(%arg15 : memref<!tpu.dma_semaphore, #tpu.memory_space<semaphore_mem>>) {add = true}
        %mul3A_113 = arith.constant 128 : i32
        %mul3A_114 = arith.muli %scan3A_102, %mul3A_113 : i32
        %add3A_115 = arith.constant 8 : i32
        %add3A_116 = arith.addi %add3A_115, %scan3A_102 : i32
        %dma_start3A_117 = tpu.memref_slice %arg8[%mul3A_114] : memref<512xf32, #tpu.memory_space<vmem>> -> memref<128xf32, #tpu.memory_space<vmem>>
        %dma_start3A_118 = arith.constant 0 : i32
        %dma_start3A_119 = tpu.memref_slice %arg6[%add3A_116, %dma_start3A_118] : memref<32x128xi32, #tpu.memory_space<vmem>> -> memref<1x128xi32, #tpu.memory_space<vmem>>
        %dma_start3A_120 = tpu.memref_squeeze %dma_start3A_119 : memref<1x128xi32, #tpu.memory_space<vmem>> -> memref<128xi32, #tpu.memory_space<vmem>>
        %dma_start3A_121 = arith.constant 0 : i32
        %dma_start3A_122 = tpu.memref_slice %arg13[%dma_start3A_121] : memref<100352xf32, #tpu.memory_space<vmem_shared>> -> memref<100352xf32, #tpu.memory_space<vmem_shared>>
        tpu.enqueue_indirect_dma source(%dma_start3A_117 : memref<128xf32, #tpu.memory_space<vmem>>) target(%dma_start3A_122 : memref<100352xf32, #tpu.memory_space<vmem_shared>>) offsets(%dma_start3A_120 : memref<128xi32, #tpu.memory_space<vmem>>) semaphore(%arg15 : memref<!tpu.dma_semaphore, #tpu.memory_space<semaphore_mem>>) {add = true}
      }
      %scan3A_69 = arith.constant 4 : i32
      %dma_wait3A_70 = arith.constant 0 : i32
      %dma_wait3A_71 = arith.constant 0 : i32
      %dma_wait3A_72 = tpu.memref_slice %arg3[%dma_wait3A_70, %dma_wait3A_71] : memref<100352x128xi32, #tpu.memory_space<hbm>> -> memref<32x128xi32, #tpu.memory_space<hbm>>
      %dma_wait3A_73 = arith.constant 0 : i32
      %dma_wait3A_74 = arith.constant 0 : i32
      %dma_wait3A_75 = tpu.memref_slice %arg3[%dma_wait3A_73, %dma_wait3A_74] : memref<100352x128xi32, #tpu.memory_space<hbm>> -> memref<32x128xi32, #tpu.memory_space<hbm>>
      tpu.wait_dma2 semaphore(%arg14 : memref<!tpu.dma_semaphore, #tpu.memory_space<semaphore_mem>>) src(%dma_wait3A_75 : memref<32x128xi32, #tpu.memory_space<hbm>>) dst(%arg6 : memref<32x128xi32, #tpu.memory_space<vmem>>)
      %scan3A_76 = arith.constant 0 : i32
      %scan3A_77 = arith.constant 0 : i32
      %scan3A_78 = arith.constant 32 : i32
      %scan3A_79 = arith.addi %scan3A_77, %scan3A_78 : i32
      %scan3A_80 = arith.constant 1 : i32
      scf.for %scan3A_102 = %scan3A_77 to %scan3A_79 step %scan3A_80  : i32 {
        %mul3A_103 = arith.constant 16 : i32
        %mul3A_104 = arith.muli %scan3A_102, %mul3A_103 : i32
        %jit3A = arith.constant 8 : i32
        %div3A = arith.divsi %scan3A_102, %jit3A : i32
        %sign3A = arith.constant 0 : i32
        %sign3A_105 = arith.cmpi sgt, %scan3A_102, %sign3A : i32
        %sign3A_106 = arith.extui %sign3A_105 : i1 to i32
        %sign3A_107 = arith.constant 0 : i32
        %sign3A_108 = arith.cmpi slt, %scan3A_102, %sign3A_107 : i32
        %sign3A_109 = arith.extui %sign3A_108 : i1 to i32
        %sign3A_110 = arith.subi %sign3A_106, %sign3A_109 : i32
        %sign3A_111 = arith.constant 0 : i32
        %sign3A_112 = arith.cmpi sgt, %jit3A, %sign3A_111 : i32
        %sign3A_113 = arith.extui %sign3A_112 : i1 to i32
        %sign3A_114 = arith.constant 0 : i32
        %sign3A_115 = arith.cmpi slt, %jit3A, %sign3A_114 : i32
        %sign3A_116 = arith.extui %sign3A_115 : i1 to i32
        %sign3A_117 = arith.subi %sign3A_113, %sign3A_116 : i32
        %ne3A = arith.cmpi ne, %sign3A_110, %sign3A_117 : i32
        %rem3A = arith.remsi %scan3A_102, %jit3A : i32
        %ne3A_118 = arith.constant 0 : i32
        %ne3A_119 = arith.cmpi ne, %rem3A, %ne3A_118 : i32
        %and3A = arith.andi %ne3A, %ne3A_119 : i1
        %sub3A = arith.constant 1 : i32
        %sub3A_120 = arith.subi %div3A, %sub3A : i32
        %select_n3A = arith.select %and3A, %sub3A_120, %div3A : i32
        %jit3A_121 = arith.constant 8 : i32
        %eq3A = arith.constant 0 : i32
        %eq3A_122 = arith.cmpi eq, %jit3A_121, %eq3A : i32
        %jit3A_123 = arith.constant 1 : i32
        %select_n3A_124 = arith.select %eq3A_122, %jit3A_123, %jit3A_121 : i32
        %rem3A_125 = arith.remsi %scan3A_102, %select_n3A_124 : i32
        %ne3A_126 = arith.constant 0 : i32
        %ne3A_127 = arith.cmpi ne, %rem3A_125, %ne3A_126 : i32
        %lt3A_128 = arith.constant 0 : i32
        %lt3A_129 = arith.cmpi slt, %rem3A_125, %lt3A_128 : i32
        %lt3A_130 = arith.constant 0 : i32
        %lt3A_131 = arith.cmpi slt, %select_n3A_124, %lt3A_130 : i32
        %ne3A_132 = arith.xori %lt3A_129, %lt3A_131 : i1
        %and3A_133 = arith.andi %ne3A_132, %ne3A_127 : i1
        %add3A_134 = arith.addi %rem3A_125, %select_n3A_124 : i32
        %select_n3A_135 = arith.select %and3A_133, %add3A_134, %rem3A_125 : i32
        %mul3A_136 = arith.constant 16 : i32
        %mul3A_137 = arith.muli %select_n3A_135, %mul3A_136 : i32
        %get3A = arith.index_cast %select_n3A : i32 to index
        %get3A_138 = arith.index_cast %mul3A_137 : i32 to index
        %get3A_139 = tpu.vector_load %arg9[%get3A, %get3A_138] {strides = array<i32>} : memref<32x128xi32, #tpu.memory_space<vmem>>, vector<16xi32>,
        %gather3A = tpu.vector_load_idx %arg5[%get3A_139] : memref<100000xf32, #tpu.memory_space<vmem>>[vector<16xi32>], vector<16xf32>,
        %add3A_140 = arith.constant 1 : i32
        %add3A_141 = vector.broadcast %add3A_140 : i32 to vector<16xi32>
        %add3A_142 = arith.addi %get3A_139, %add3A_141 : vector<16xi32>
        %gather3A_143 = tpu.vector_load_idx %arg5[%add3A_142] : memref<100000xf32, #tpu.memory_space<vmem>>[vector<16xi32>], vector<16xf32>,
        %add3A_144 = arith.constant 12 : i32
        %add3A_145 = arith.addi %add3A_144, %select_n3A : i32
        %get3A_146 = arith.index_cast %add3A_145 : i32 to index
        %get3A_147 = arith.index_cast %mul3A_137 : i32 to index
        %get3A_148 = tpu.vector_load %arg9[%get3A_146, %get3A_147] {strides = array<i32>} : memref<32x128xi32, #tpu.memory_space<vmem>>, vector<16xi32>,
        %bitcast3A = vector.bitcast %get3A_148 : vector<16xi32> to vector<16xf32>
        %add3A_149 = arith.constant 16 : i32
        %add3A_150 = arith.addi %add3A_149, %select_n3A : i32
        %get3A_151 = arith.index_cast %add3A_150 : i32 to index
        %get3A_152 = arith.index_cast %mul3A_137 : i32 to index
        %get3A_153 = tpu.vector_load %arg9[%get3A_151, %get3A_152] {strides = array<i32>} : memref<32x128xi32, #tpu.memory_space<vmem>>, vector<16xi32>,
        %bitcast3A_154 = vector.bitcast %get3A_153 : vector<16xi32> to vector<16xf32>
        %add3A_155 = arith.constant 20 : i32
        %add3A_156 = arith.addi %add3A_155, %select_n3A : i32
        %get3A_157 = arith.index_cast %add3A_156 : i32 to index
        %get3A_158 = arith.index_cast %mul3A_137 : i32 to index
        %get3A_159 = tpu.vector_load %arg9[%get3A_157, %get3A_158] {strides = array<i32>} : memref<32x128xi32, #tpu.memory_space<vmem>>, vector<16xi32>,
        %bitcast3A_160 = vector.bitcast %get3A_159 : vector<16xi32> to vector<16xf32>
        %add3A_161 = arith.constant 24 : i32
        %add3A_162 = arith.addi %add3A_161, %select_n3A : i32
        %get3A_163 = arith.index_cast %add3A_162 : i32 to index
        %get3A_164 = arith.index_cast %mul3A_137 : i32 to index
        %get3A_165 = tpu.vector_load %arg9[%get3A_163, %get3A_164] {strides = array<i32>} : memref<32x128xi32, #tpu.memory_space<vmem>>, vector<16xi32>,
        %bitcast3A_166 = vector.bitcast %get3A_165 : vector<16xi32> to vector<16xf32>
        %mul3A_167 = arith.mulf %bitcast3A, %gather3A : vector<16xf32>
        %mul3A_168 = arith.mulf %bitcast3A_154, %gather3A_143 : vector<16xf32>
        %add3A_169 = arith.addf %mul3A_167, %mul3A_168 : vector<16xf32>
        %swap3A = arith.index_cast %mul3A_104 : i32 to index
        %swap3A_170 = tpu.vector_load %arg10[%swap3A] {strides = array<i32>} : memref<512xf32, #tpu.memory_space<vmem>>, vector<16xf32>,
        tpu.vector_store %arg10[%swap3A], %add3A_169 {strides = array<i32>} : memref<512xf32, #tpu.memory_space<vmem>>, vector<16xf32>,
        %mul3A_171 = arith.mulf %bitcast3A_160, %gather3A : vector<16xf32>
        %mul3A_172 = arith.mulf %bitcast3A_166, %gather3A_143 : vector<16xf32>
        %add3A_173 = arith.addf %mul3A_171, %mul3A_172 : vector<16xf32>
        %swap3A_174 = arith.index_cast %mul3A_104 : i32 to index
        %swap3A_175 = tpu.vector_load %arg11[%swap3A_174] {strides = array<i32>} : memref<512xf32, #tpu.memory_space<vmem>>, vector<16xf32>,
        tpu.vector_store %arg11[%swap3A_174], %add3A_173 {strides = array<i32>} : memref<512xf32, #tpu.memory_space<vmem>>, vector<16xf32>,
      }
      %scan3A_81 = arith.constant 32 : i32
      %dma_wait3A_82 = arith.constant 0 : i32
      %dma_wait3A_83 = tpu.memref_slice %arg2[%dma_wait3A_82] : memref<100352xf32, #tpu.memory_space<hbm>> -> memref<512xf32, #tpu.memory_space<hbm>>
      %dma_wait3A_84 = arith.constant 0 : i32
      %dma_wait3A_85 = tpu.memref_slice %arg2[%dma_wait3A_84] : memref<100352xf32, #tpu.memory_space<hbm>> -> memref<512xf32, #tpu.memory_space<hbm>>
      tpu.wait_dma2 semaphore(%arg15 : memref<!tpu.dma_semaphore, #tpu.memory_space<semaphore_mem>>) src(%dma_wait3A_85 : memref<512xf32, #tpu.memory_space<hbm>>) dst(%arg7 : memref<512xf32, #tpu.memory_space<vmem>>)
      %dma_wait3A_86 = arith.constant 0 : i32
      %dma_wait3A_87 = tpu.memref_slice %arg2[%dma_wait3A_86] : memref<100352xf32, #tpu.memory_space<hbm>> -> memref<512xf32, #tpu.memory_space<hbm>>
      %dma_wait3A_88 = arith.constant 0 : i32
      %dma_wait3A_89 = tpu.memref_slice %arg2[%dma_wait3A_88] : memref<100352xf32, #tpu.memory_space<hbm>> -> memref<512xf32, #tpu.memory_space<hbm>>
      tpu.wait_dma2 semaphore(%arg15 : memref<!tpu.dma_semaphore, #tpu.memory_space<semaphore_mem>>) src(%dma_wait3A_89 : memref<512xf32, #tpu.memory_space<hbm>>) dst(%arg7 : memref<512xf32, #tpu.memory_space<vmem>>)
      %add3A_90 = arith.constant 1 : i32
      %add3A_91 = arith.addi %scan3A_35, %add3A_90 : i32
      %lt3A = arith.constant 49 : i32
      %lt3A_92 = arith.cmpi slt, %add3A_91, %lt3A : i32
      %convert_element_type3A_93 = arith.extui %lt3A_92 : i1 to i32
      %cond3A_94 = arith.constant 0 : i32
      %cond3A_95 = arith.cmpi ne, %convert_element_type3A_93, %cond3A_94 : i32
      scf.if %cond3A_95 {
        %add3A_102 = arith.constant 2 : i32
        %add3A_103 = arith.addi %mul3A_37, %add3A_102 : i32
        %mul3A_104 = arith.constant 98 : i32
        %mul3A_105 = arith.muli %add3A, %mul3A_104 : i32
        %add3A_106 = arith.addi %mul3A_105, %add3A_103 : i32
        %mul3A_107 = arith.constant 32 : i32
        %mul3A_108 = arith.muli %add3A_106, %mul3A_107 : i32
        %multiple_of3A_109 = tpu.assume_multiple %mul3A_108, 8 : i32
        %dma_start3A_110 = arith.constant 0 : i32
        %dma_start3A_111 = tpu.memref_slice %arg3[%multiple_of3A_109, %dma_start3A_110] : memref<100352x128xi32, #tpu.memory_space<hbm>> -> memref<32x128xi32, #tpu.memory_space<hbm>>
        %dma_start3A_112 = arith.constant 0 : i32
        %dma_start3A_113 = tpu.memref_slice %arg3[%multiple_of3A_109, %dma_start3A_112] : memref<100352x128xi32, #tpu.memory_space<hbm>> -> memref<32x128xi32, #tpu.memory_space<hbm>>
        tpu.enqueue_dma source(%dma_start3A_113 : memref<32x128xi32, #tpu.memory_space<hbm>>) target(%arg6 : memref<32x128xi32, #tpu.memory_space<vmem>>) target_semaphore(%arg14 : memref<!tpu.dma_semaphore, #tpu.memory_space<semaphore_mem>>)
      } else {
      }
      %scan3A_96 = arith.constant 0 : i32
      %scan3A_97 = arith.constant 0 : i32
      %scan3A_98 = arith.constant 4 : i32
      %scan3A_99 = arith.addi %scan3A_97, %scan3A_98 : i32
      %scan3A_100 = arith.constant 1 : i32
      scf.for %scan3A_102 = %scan3A_97 to %scan3A_99 step %scan3A_100  : i32 {
        %mul3A_103 = arith.constant 128 : i32
        %mul3A_104 = arith.muli %scan3A_102, %mul3A_103 : i32
        %add3A_105 = arith.constant 4 : i32
        %add3A_106 = arith.addi %add3A_105, %scan3A_102 : i32
        %dma_start3A_107 = tpu.memref_slice %arg10[%mul3A_104] : memref<512xf32, #tpu.memory_space<vmem>> -> memref<128xf32, #tpu.memory_space<vmem>>
        %dma_start3A_108 = arith.constant 0 : i32
        %dma_start3A_109 = tpu.memref_slice %arg9[%add3A_106, %dma_start3A_108] : memref<32x128xi32, #tpu.memory_space<vmem>> -> memref<1x128xi32, #tpu.memory_space<vmem>>
        %dma_start3A_110 = tpu.memref_squeeze %dma_start3A_109 : memref<1x128xi32, #tpu.memory_space<vmem>> -> memref<128xi32, #tpu.memory_space<vmem>>
        %dma_start3A_111 = arith.constant 0 : i32
        %dma_start3A_112 = tpu.memref_slice %arg13[%dma_start3A_111] : memref<100352xf32, #tpu.memory_space<vmem_shared>> -> memref<100352xf32, #tpu.memory_space<vmem_shared>>
        tpu.enqueue_indirect_dma source(%dma_start3A_107 : memref<128xf32, #tpu.memory_space<vmem>>) target(%dma_start3A_112 : memref<100352xf32, #tpu.memory_space<vmem_shared>>) offsets(%dma_start3A_110 : memref<128xi32, #tpu.memory_space<vmem>>) semaphore(%arg15 : memref<!tpu.dma_semaphore, #tpu.memory_space<semaphore_mem>>) {add = true}
        %mul3A_113 = arith.constant 128 : i32
        %mul3A_114 = arith.muli %scan3A_102, %mul3A_113 : i32
        %add3A_115 = arith.constant 8 : i32
        %add3A_116 = arith.addi %add3A_115, %scan3A_102 : i32
        %dma_start3A_117 = tpu.memref_slice %arg11[%mul3A_114] : memref<512xf32, #tpu.memory_space<vmem>> -> memref<128xf32, #tpu.memory_space<vmem>>
        %dma_start3A_118 = arith.constant 0 : i32
        %dma_start3A_119 = tpu.memref_slice %arg9[%add3A_116, %dma_start3A_118] : memref<32x128xi32, #tpu.memory_space<vmem>> -> memref<1x128xi32, #tpu.memory_space<vmem>>
        %dma_start3A_120 = tpu.memref_squeeze %dma_start3A_119 : memref<1x128xi32, #tpu.memory_space<vmem>> -> memref<128xi32, #tpu.memory_space<vmem>>
        %dma_start3A_121 = arith.constant 0 : i32
        %dma_start3A_122 = tpu.memref_slice %arg13[%dma_start3A_121] : memref<100352xf32, #tpu.memory_space<vmem_shared>> -> memref<100352xf32, #tpu.memory_space<vmem_shared>>
        tpu.enqueue_indirect_dma source(%dma_start3A_117 : memref<128xf32, #tpu.memory_space<vmem>>) target(%dma_start3A_122 : memref<100352xf32, #tpu.memory_space<vmem_shared>>) offsets(%dma_start3A_120 : memref<128xi32, #tpu.memory_space<vmem>>) semaphore(%arg15 : memref<!tpu.dma_semaphore, #tpu.memory_space<semaphore_mem>>) {add = true}
      }
      %scan3A_101 = arith.constant 4 : i32
    }
    %scan3A_22 = arith.constant 49 : i32
    %dma_wait3A = arith.constant 0 : i32
    %dma_wait3A_23 = tpu.memref_slice %arg2[%dma_wait3A] : memref<100352xf32, #tpu.memory_space<hbm>> -> memref<512xf32, #tpu.memory_space<hbm>>
    %dma_wait3A_24 = arith.constant 0 : i32
    %dma_wait3A_25 = tpu.memref_slice %arg2[%dma_wait3A_24] : memref<100352xf32, #tpu.memory_space<hbm>> -> memref<512xf32, #tpu.memory_space<hbm>>
    tpu.wait_dma2 semaphore(%arg15 : memref<!tpu.dma_semaphore, #tpu.memory_space<semaphore_mem>>) src(%dma_wait3A_25 : memref<512xf32, #tpu.memory_space<hbm>>) dst(%arg7 : memref<512xf32, #tpu.memory_space<vmem>>)
    %dma_wait3A_26 = arith.constant 0 : i32
    %dma_wait3A_27 = tpu.memref_slice %arg2[%dma_wait3A_26] : memref<100352xf32, #tpu.memory_space<hbm>> -> memref<512xf32, #tpu.memory_space<hbm>>
    %dma_wait3A_28 = arith.constant 0 : i32
    %dma_wait3A_29 = tpu.memref_slice %arg2[%dma_wait3A_28] : memref<100352xf32, #tpu.memory_space<hbm>> -> memref<512xf32, #tpu.memory_space<hbm>>
    tpu.wait_dma2 semaphore(%arg15 : memref<!tpu.dma_semaphore, #tpu.memory_space<semaphore_mem>>) src(%dma_wait3A_29 : memref<512xf32, #tpu.memory_space<hbm>>) dst(%arg7 : memref<512xf32, #tpu.memory_space<vmem>>)
    %barrier3A_30 = arith.constant 0 : index
    tpu.barrier barrier_id(%barrier3A_30)
    %mul3A_31 = arith.constant 6272 : i32
    %mul3A_32 = arith.muli %arg1, %mul3A_31 : i32
    "tpu.region"() ({
      %run_scoped3A = tpu.sem_alloc : memref<!tpu.dma_semaphore, #tpu.memory_space<semaphore_mem>>
      %dma_start3A_35 = tpu.memref_slice %arg13[%mul3A_32] : memref<100352xf32, #tpu.memory_space<vmem_shared>> -> memref<6272xf32, #tpu.memory_space<vmem_shared>>
      %dma_start3A_36 = tpu.memref_slice %arg13[%mul3A_32] : memref<100352xf32, #tpu.memory_space<vmem_shared>> -> memref<6272xf32, #tpu.memory_space<vmem_shared>>
      tpu.enqueue_dma source(%dma_start3A_36 : memref<6272xf32, #tpu.memory_space<vmem_shared>>) target(%arg12 : memref<6272xf32, #tpu.memory_space<vmem>>) target_semaphore(%run_scoped3A : memref<!tpu.dma_semaphore, #tpu.memory_space<semaphore_mem>>)
      %dma_wait3A_37 = tpu.memref_slice %arg13[%mul3A_32] : memref<100352xf32, #tpu.memory_space<vmem_shared>> -> memref<6272xf32, #tpu.memory_space<vmem_shared>>
      %dma_wait3A_38 = tpu.memref_slice %arg13[%mul3A_32] : memref<100352xf32, #tpu.memory_space<vmem_shared>> -> memref<6272xf32, #tpu.memory_space<vmem_shared>>
      tpu.wait_dma2 semaphore(%run_scoped3A : memref<!tpu.dma_semaphore, #tpu.memory_space<semaphore_mem>>) src(%dma_wait3A_38 : memref<6272xf32, #tpu.memory_space<vmem_shared>>) dst(%arg12 : memref<6272xf32, #tpu.memory_space<vmem>>)
      tpu.yield
    }) : () -> ()
    %mul3A_33 = arith.constant 6272 : i32
    %mul3A_34 = arith.muli %arg1, %mul3A_33 : i32
    "tpu.region"() ({
      %run_scoped3A = tpu.sem_alloc : memref<!tpu.dma_semaphore, #tpu.memory_space<semaphore_mem>>
      %dma_start3A_35 = tpu.memref_slice %arg4[%arg0, %mul3A_34] : memref<2x100352xf32, #tpu.memory_space<hbm>> -> memref<1x6272xf32, #tpu.memory_space<hbm>>
      %dma_start3A_36 = tpu.memref_squeeze %dma_start3A_35 : memref<1x6272xf32, #tpu.memory_space<hbm>> -> memref<6272xf32, #tpu.memory_space<hbm>>
      %dma_start3A_37 = tpu.memref_slice %arg4[%arg0, %mul3A_34] : memref<2x100352xf32, #tpu.memory_space<hbm>> -> memref<1x6272xf32, #tpu.memory_space<hbm>>
      %dma_start3A_38 = tpu.memref_squeeze %dma_start3A_37 : memref<1x6272xf32, #tpu.memory_space<hbm>> -> memref<6272xf32, #tpu.memory_space<hbm>>
      tpu.enqueue_dma source(%arg12 : memref<6272xf32, #tpu.memory_space<vmem>>) target(%dma_start3A_38 : memref<6272xf32, #tpu.memory_space<hbm>>) target_semaphore(%run_scoped3A : memref<!tpu.dma_semaphore, #tpu.memory_space<semaphore_mem>>)
      %dma_wait3A_39 = tpu.memref_slice %arg4[%arg0, %mul3A_34] : memref<2x100352xf32, #tpu.memory_space<hbm>> -> memref<1x6272xf32, #tpu.memory_space<hbm>>
      %dma_wait3A_40 = tpu.memref_squeeze %dma_wait3A_39 : memref<1x6272xf32, #tpu.memory_space<hbm>> -> memref<6272xf32, #tpu.memory_space<hbm>>
      %dma_wait3A_41 = tpu.memref_slice %arg4[%arg0, %mul3A_34] : memref<2x100352xf32, #tpu.memory_space<hbm>> -> memref<1x6272xf32, #tpu.memory_space<hbm>>
      %dma_wait3A_42 = tpu.memref_squeeze %dma_wait3A_41 : memref<1x6272xf32, #tpu.memory_space<hbm>> -> memref<6272xf32, #tpu.memory_space<hbm>>
      tpu.wait_dma2 semaphore(%run_scoped3A : memref<!tpu.dma_semaphore, #tpu.memory_space<semaphore_mem>>) src(%arg12 : memref<6272xf32, #tpu.memory_space<vmem>>) dst(%dma_wait3A_42 : memref<6272xf32, #tpu.memory_space<hbm>>)
      tpu.yield
    }) : () -> ()
    return
  }
}

#map = affine_map<(d0, d1) -> (0)>
#map1 = affine_map<(d0, d1) -> (0, 0)>
module attributes {stable_mosaic.version = 14 : i64} {
  func.func @sc_matvec(%arg0: i32, %arg1: i32, %arg2: memref<100352xf32, #tpu.memory_space<hbm>>, %arg3: memref<100352x128xi32, #tpu.memory_space<hbm>>, %arg4: memref<2x100352xf32, #tpu.memory_space<hbm>>, %arg5: memref<100000xf32, #tpu.memory_space<vmem>>, %arg6: memref<32x128xi32, #tpu.memory_space<vmem>>, %arg7: memref<512xf32, #tpu.memory_space<vmem>>, %arg8: memref<512xf32, #tpu.memory_space<vmem>>, %arg9: memref<32x128xi32, #tpu.memory_space<vmem>>, %arg10: memref<512xf32, #tpu.memory_space<vmem>>, %arg11: memref<512xf32, #tpu.memory_space<vmem>>, %arg12: memref<6272xf32, #tpu.memory_space<vmem>>, %arg13: memref<100352xf32, #tpu.memory_space<vmem_shared>>, %arg14: memref<!tpu.dma_semaphore, #tpu.memory_space<semaphore_mem>>, %arg15: memref<!tpu.dma_semaphore, #tpu.memory_space<semaphore_mem>>) attributes {dimension_semantics = [#tpu.dimension_semantics<core_parallel>, #tpu.dimension_semantics<subcore_parallel>], iteration_bounds = array<i64: 2, 16>, scalar_prefetch = 0 : i64, scratch_operands = 11 : i64, tpu.core_type = #tpu.core_type<sc_vector_subcore>, window_params = [{transform_indices = #map}, {transform_indices = #map1}, {transform_indices = #map1}]} {
    %mul3A = arith.constant 16 : i32
    %mul3A_0 = arith.muli %arg0, %mul3A : i32
    %add3A = arith.addi %mul3A_0, %arg1 : i32
    %scan3A = arith.constant 0 : i32
    %scan3A_1 = arith.constant 0 : i32
    %scan3A_2 = arith.constant 392 : i32
    %scan3A_3 = arith.addi %scan3A_1, %scan3A_2 : i32
    %scan3A_4 = arith.constant 1 : i32
    scf.for %scan3A_35 = %scan3A_1 to %scan3A_3 step %scan3A_4  : i32 {
      %broadcast_in_dim3A = arith.constant 0.000000e+00 : f32
      %broadcast_in_dim3A_36 = vector.broadcast %broadcast_in_dim3A : f32 to vector<16xf32>
      %mul3A_37 = arith.constant 16 : i32
      %mul3A_38 = arith.muli %scan3A_35, %mul3A_37 : i32
      %swap3A = arith.index_cast %mul3A_38 : i32 to index
      %swap3A_39 = tpu.vector_load %arg12[%swap3A] {strides = array<i32>} : memref<6272xf32, #tpu.memory_space<vmem>>, vector<16xf32>,
      tpu.vector_store %arg12[%swap3A], %broadcast_in_dim3A_36 {strides = array<i32>} : memref<6272xf32, #tpu.memory_space<vmem>>, vector<16xf32>,
    }
    %scan3A_5 = arith.constant 392 : i32
    %mul3A_6 = arith.constant 6272 : i32
    %mul3A_7 = arith.muli %arg1, %mul3A_6 : i32
    "tpu.region"() ({
      %run_scoped3A = tpu.sem_alloc : memref<!tpu.dma_semaphore, #tpu.memory_space<semaphore_mem>>
      %dma_start3A_35 = tpu.memref_slice %arg13[%mul3A_7] : memref<100352xf32, #tpu.memory_space<vmem_shared>> -> memref<6272xf32, #tpu.memory_space<vmem_shared>>
      %dma_start3A_36 = tpu.memref_slice %arg13[%mul3A_7] : memref<100352xf32, #tpu.memory_space<vmem_shared>> -> memref<6272xf32, #tpu.memory_space<vmem_shared>>
      tpu.enqueue_dma source(%arg12 : memref<6272xf32, #tpu.memory_space<vmem>>) target(%dma_start3A_36 : memref<6272xf32, #tpu.memory_space<vmem_shared>>) target_semaphore(%run_scoped3A : memref<!tpu.dma_semaphore, #tpu.memory_space<semaphore_mem>>)
      %dma_wait3A_37 = tpu.memref_slice %arg13[%mul3A_7] : memref<100352xf32, #tpu.memory_space<vmem_shared>> -> memref<6272xf32, #tpu.memory_space<vmem_shared>>
      %dma_wait3A_38 = tpu.memref_slice %arg13[%mul3A_7] : memref<100352xf32, #tpu.memory_space<vmem_shared>> -> memref<6272xf32, #tpu.memory_space<vmem_shared>>
      tpu.wait_dma2 semaphore(%run_scoped3A : memref<!tpu.dma_semaphore, #tpu.memory_space<semaphore_mem>>) src(%arg12 : memref<6272xf32, #tpu.memory_space<vmem>>) dst(%dma_wait3A_38 : memref<6272xf32, #tpu.memory_space<vmem_shared>>)
      tpu.yield
    }) : () -> ()
    "tpu.region"() ({
      %run_scoped3A = tpu.sem_alloc : memref<!tpu.dma_semaphore, #tpu.memory_space<semaphore_mem>>
      %dma_start3A_35 = arith.constant 0 : i32
      %dma_start3A_36 = tpu.memref_slice %arg2[%dma_start3A_35] : memref<100352xf32, #tpu.memory_space<hbm>> -> memref<100000xf32, #tpu.memory_space<hbm>>
      %dma_start3A_37 = arith.constant 0 : i32
      %dma_start3A_38 = tpu.memref_slice %arg2[%dma_start3A_37] : memref<100352xf32, #tpu.memory_space<hbm>> -> memref<100000xf32, #tpu.memory_space<hbm>>
      tpu.enqueue_dma source(%dma_start3A_38 : memref<100000xf32, #tpu.memory_space<hbm>>) target(%arg5 : memref<100000xf32, #tpu.memory_space<vmem>>) target_semaphore(%run_scoped3A : memref<!tpu.dma_semaphore, #tpu.memory_space<semaphore_mem>>)
      %dma_wait3A_39 = arith.constant 0 : i32
      %dma_wait3A_40 = tpu.memref_slice %arg2[%dma_wait3A_39] : memref<100352xf32, #tpu.memory_space<hbm>> -> memref<100000xf32, #tpu.memory_space<hbm>>
      %dma_wait3A_41 = arith.constant 0 : i32
      %dma_wait3A_42 = tpu.memref_slice %arg2[%dma_wait3A_41] : memref<100352xf32, #tpu.memory_space<hbm>> -> memref<100000xf32, #tpu.memory_space<hbm>>
      tpu.wait_dma2 semaphore(%run_scoped3A : memref<!tpu.dma_semaphore, #tpu.memory_space<semaphore_mem>>) src(%dma_wait3A_42 : memref<100000xf32, #tpu.memory_space<hbm>>) dst(%arg5 : memref<100000xf32, #tpu.memory_space<vmem>>)
      tpu.yield
    }) : () -> ()
    %barrier3A = arith.constant 0 : index
    tpu.barrier barrier_id(%barrier3A)
    %mul3A_8 = arith.constant 98 : i32
    %mul3A_9 = arith.muli %add3A, %mul3A_8 : i32
    %add3A_10 = arith.constant 0 : i32
    %add3A_11 = arith.addi %mul3A_9, %add3A_10 : i32
    %mul3A_12 = arith.constant 32 : i32
    %mul3A_13 = arith.muli %add3A_11, %mul3A_12 : i32
    %multiple_of3A = tpu.assume_multiple %mul3A_13, 8 : i32
    %dma_start3A = arith.constant 0 : i32
    %dma_start3A_14 = tpu.memref_slice %arg3[%multiple_of3A, %dma_start3A] : memref<100352x128xi32, #tpu.memory_space<hbm>> -> memref<32x128xi32, #tpu.memory_space<hbm>>
    %dma_start3A_15 = arith.constant 0 : i32
    %dma_start3A_16 = tpu.memref_slice %arg3[%multiple_of3A, %dma_start3A_15] : memref<100352x128xi32, #tpu.memory_space<hbm>> -> memref<32x128xi32, #tpu.memory_space<hbm>>
    tpu.enqueue_dma source(%dma_start3A_16 : memref<32x128xi32, #tpu.memory_space<hbm>>) target(%arg6 : memref<32x128xi32, #tpu.memory_space<vmem>>) target_semaphore(%arg14 : memref<!tpu.dma_semaphore, #tpu.memory_space<semaphore_mem>>)
    %scan3A_17 = arith.constant 0 : i32
    %scan3A_18 = arith.constant 0 : i32
    %scan3A_19 = arith.constant 49 : i32
    %scan3A_20 = arith.addi %scan3A_18, %scan3A_19 : i32
    %scan3A_21 = arith.constant 1 : i32
    scf.for %scan3A_35 = %scan3A_18 to %scan3A_20 step %scan3A_21  : i32 {
      %mul3A_36 = arith.constant 2 : i32
      %mul3A_37 = arith.muli %scan3A_35, %mul3A_36 : i32
      %dma_wait3A_38 = arith.constant 0 : i32
      %dma_wait3A_39 = arith.constant 0 : i32
      %dma_wait3A_40 = tpu.memref_slice %arg3[%dma_wait3A_38, %dma_wait3A_39] : memref<100352x128xi32, #tpu.memory_space<hbm>> -> memref<32x128xi32, #tpu.memory_space<hbm>>
      %dma_wait3A_41 = arith.constant 0 : i32
      %dma_wait3A_42 = arith.constant 0 : i32
      %dma_wait3A_43 = tpu.memref_slice %arg3[%dma_wait3A_41, %dma_wait3A_42] : memref<100352x128xi32, #tpu.memory_space<hbm>> -> memref<32x128xi32, #tpu.memory_space<hbm>>
      tpu.wait_dma2 semaphore(%arg14 : memref<!tpu.dma_semaphore, #tpu.memory_space<semaphore_mem>>) src(%dma_wait3A_43 : memref<32x128xi32, #tpu.memory_space<hbm>>) dst(%arg6 : memref<32x128xi32, #tpu.memory_space<vmem>>)
      %scan3A_44 = arith.constant 0 : i32
      %scan3A_45 = arith.constant 0 : i32
      %scan3A_46 = arith.constant 32 : i32
      %scan3A_47 = arith.addi %scan3A_45, %scan3A_46 : i32
      %scan3A_48 = arith.constant 1 : i32
      scf.for %scan3A_102 = %scan3A_45 to %scan3A_47 step %scan3A_48  : i32 {
        %mul3A_103 = arith.constant 16 : i32
        %mul3A_104 = arith.muli %scan3A_102, %mul3A_103 : i32
        %jit3A = arith.constant 8 : i32
        %div3A = arith.divsi %scan3A_102, %jit3A : i32
        %sign3A = arith.constant 0 : i32
        %sign3A_105 = arith.cmpi sgt, %scan3A_102, %sign3A : i32
        %sign3A_106 = arith.extui %sign3A_105 : i1 to i32
        %sign3A_107 = arith.constant 0 : i32
        %sign3A_108 = arith.cmpi slt, %scan3A_102, %sign3A_107 : i32
        %sign3A_109 = arith.extui %sign3A_108 : i1 to i32
        %sign3A_110 = arith.subi %sign3A_106, %sign3A_109 : i32
        %sign3A_111 = arith.constant 0 : i32
        %sign3A_112 = arith.cmpi sgt, %jit3A, %sign3A_111 : i32
        %sign3A_113 = arith.extui %sign3A_112 : i1 to i32
        %sign3A_114 = arith.constant 0 : i32
        %sign3A_115 = arith.cmpi slt, %jit3A, %sign3A_114 : i32
        %sign3A_116 = arith.extui %sign3A_115 : i1 to i32
        %sign3A_117 = arith.subi %sign3A_113, %sign3A_116 : i32
        %ne3A = arith.cmpi ne, %sign3A_110, %sign3A_117 : i32
        %rem3A = arith.remsi %scan3A_102, %jit3A : i32
        %ne3A_118 = arith.constant 0 : i32
        %ne3A_119 = arith.cmpi ne, %rem3A, %ne3A_118 : i32
        %and3A = arith.andi %ne3A, %ne3A_119 : i1
        %sub3A = arith.constant 1 : i32
        %sub3A_120 = arith.subi %div3A, %sub3A : i32
        %select_n3A = arith.select %and3A, %sub3A_120, %div3A : i32
        %jit3A_121 = arith.constant 8 : i32
        %eq3A = arith.constant 0 : i32
        %eq3A_122 = arith.cmpi eq, %jit3A_121, %eq3A : i32
        %jit3A_123 = arith.constant 1 : i32
        %select_n3A_124 = arith.select %eq3A_122, %jit3A_123, %jit3A_121 : i32
        %rem3A_125 = arith.remsi %scan3A_102, %select_n3A_124 : i32
        %ne3A_126 = arith.constant 0 : i32
        %ne3A_127 = arith.cmpi ne, %rem3A_125, %ne3A_126 : i32
        %lt3A_128 = arith.constant 0 : i32
        %lt3A_129 = arith.cmpi slt, %rem3A_125, %lt3A_128 : i32
        %lt3A_130 = arith.constant 0 : i32
        %lt3A_131 = arith.cmpi slt, %select_n3A_124, %lt3A_130 : i32
        %ne3A_132 = arith.xori %lt3A_129, %lt3A_131 : i1
        %and3A_133 = arith.andi %ne3A_132, %ne3A_127 : i1
        %add3A_134 = arith.addi %rem3A_125, %select_n3A_124 : i32
        %select_n3A_135 = arith.select %and3A_133, %add3A_134, %rem3A_125 : i32
        %mul3A_136 = arith.constant 16 : i32
        %mul3A_137 = arith.muli %select_n3A_135, %mul3A_136 : i32
        %get3A = arith.index_cast %select_n3A : i32 to index
        %get3A_138 = arith.index_cast %mul3A_137 : i32 to index
        %get3A_139 = tpu.vector_load %arg6[%get3A, %get3A_138] {strides = array<i32>} : memref<32x128xi32, #tpu.memory_space<vmem>>, vector<16xi32>,
        %gather3A = tpu.vector_load_idx %arg5[%get3A_139] : memref<100000xf32, #tpu.memory_space<vmem>>[vector<16xi32>], vector<16xf32>,
        %add3A_140 = arith.constant 1 : i32
        %add3A_141 = vector.broadcast %add3A_140 : i32 to vector<16xi32>
        %add3A_142 = arith.addi %get3A_139, %add3A_141 : vector<16xi32>
        %gather3A_143 = tpu.vector_load_idx %arg5[%add3A_142] : memref<100000xf32, #tpu.memory_space<vmem>>[vector<16xi32>], vector<16xf32>,
        %add3A_144 = arith.constant 12 : i32
        %add3A_145 = arith.addi %add3A_144, %select_n3A : i32
        %get3A_146 = arith.index_cast %add3A_145 : i32 to index
        %get3A_147 = arith.index_cast %mul3A_137 : i32 to index
        %get3A_148 = tpu.vector_load %arg6[%get3A_146, %get3A_147] {strides = array<i32>} : memref<32x128xi32, #tpu.memory_space<vmem>>, vector<16xi32>,
        %bitcast3A = vector.bitcast %get3A_148 : vector<16xi32> to vector<16xf32>
        %add3A_149 = arith.constant 16 : i32
        %add3A_150 = arith.addi %add3A_149, %select_n3A : i32
        %get3A_151 = arith.index_cast %add3A_150 : i32 to index
        %get3A_152 = arith.index_cast %mul3A_137 : i32 to index
        %get3A_153 = tpu.vector_load %arg6[%get3A_151, %get3A_152] {strides = array<i32>} : memref<32x128xi32, #tpu.memory_space<vmem>>, vector<16xi32>,
        %bitcast3A_154 = vector.bitcast %get3A_153 : vector<16xi32> to vector<16xf32>
        %add3A_155 = arith.constant 20 : i32
        %add3A_156 = arith.addi %add3A_155, %select_n3A : i32
        %get3A_157 = arith.index_cast %add3A_156 : i32 to index
        %get3A_158 = arith.index_cast %mul3A_137 : i32 to index
        %get3A_159 = tpu.vector_load %arg6[%get3A_157, %get3A_158] {strides = array<i32>} : memref<32x128xi32, #tpu.memory_space<vmem>>, vector<16xi32>,
        %bitcast3A_160 = vector.bitcast %get3A_159 : vector<16xi32> to vector<16xf32>
        %add3A_161 = arith.constant 24 : i32
        %add3A_162 = arith.addi %add3A_161, %select_n3A : i32
        %get3A_163 = arith.index_cast %add3A_162 : i32 to index
        %get3A_164 = arith.index_cast %mul3A_137 : i32 to index
        %get3A_165 = tpu.vector_load %arg6[%get3A_163, %get3A_164] {strides = array<i32>} : memref<32x128xi32, #tpu.memory_space<vmem>>, vector<16xi32>,
        %bitcast3A_166 = vector.bitcast %get3A_165 : vector<16xi32> to vector<16xf32>
        %mul3A_167 = arith.mulf %bitcast3A, %gather3A : vector<16xf32>
        %mul3A_168 = arith.mulf %bitcast3A_154, %gather3A_143 : vector<16xf32>
        %add3A_169 = arith.addf %mul3A_167, %mul3A_168 : vector<16xf32>
        %swap3A = arith.index_cast %mul3A_104 : i32 to index
        %swap3A_170 = tpu.vector_load %arg7[%swap3A] {strides = array<i32>} : memref<512xf32, #tpu.memory_space<vmem>>, vector<16xf32>,
        tpu.vector_store %arg7[%swap3A], %add3A_169 {strides = array<i32>} : memref<512xf32, #tpu.memory_space<vmem>>, vector<16xf32>,
        %mul3A_171 = arith.mulf %bitcast3A_160, %gather3A : vector<16xf32>
        %mul3A_172 = arith.mulf %bitcast3A_166, %gather3A_143 : vector<16xf32>
        %add3A_173 = arith.addf %mul3A_171, %mul3A_172 : vector<16xf32>
        %swap3A_174 = arith.index_cast %mul3A_104 : i32 to index
        %swap3A_175 = tpu.vector_load %arg8[%swap3A_174] {strides = array<i32>} : memref<512xf32, #tpu.memory_space<vmem>>, vector<16xf32>,
        tpu.vector_store %arg8[%swap3A_174], %add3A_173 {strides = array<i32>} : memref<512xf32, #tpu.memory_space<vmem>>, vector<16xf32>,
      }
      %scan3A_49 = arith.constant 32 : i32
      %gt3A = arith.constant 0 : i32
      %gt3A_50 = arith.cmpi sgt, %scan3A_35, %gt3A : i32
      %convert_element_type3A = arith.extui %gt3A_50 : i1 to i32
      %cond3A = arith.constant 0 : i32
      %cond3A_51 = arith.cmpi ne, %convert_element_type3A, %cond3A : i32
      scf.if %cond3A_51 {
        %dma_wait3A_102 = arith.constant 0 : i32
        %dma_wait3A_103 = tpu.memref_slice %arg2[%dma_wait3A_102] : memref<100352xf32, #tpu.memory_space<hbm>> -> memref<512xf32, #tpu.memory_space<hbm>>
        %dma_wait3A_104 = arith.constant 0 : i32
        %dma_wait3A_105 = tpu.memref_slice %arg2[%dma_wait3A_104] : memref<100352xf32, #tpu.memory_space<hbm>> -> memref<512xf32, #tpu.memory_space<hbm>>
        tpu.wait_dma2 semaphore(%arg15 : memref<!tpu.dma_semaphore, #tpu.memory_space<semaphore_mem>>) src(%dma_wait3A_105 : memref<512xf32, #tpu.memory_space<hbm>>) dst(%arg7 : memref<512xf32, #tpu.memory_space<vmem>>)
        %dma_wait3A_106 = arith.constant 0 : i32
        %dma_wait3A_107 = tpu.memref_slice %arg2[%dma_wait3A_106] : memref<100352xf32, #tpu.memory_space<hbm>> -> memref<512xf32, #tpu.memory_space<hbm>>
        %dma_wait3A_108 = arith.constant 0 : i32
        %dma_wait3A_109 = tpu.memref_slice %arg2[%dma_wait3A_108] : memref<100352xf32, #tpu.memory_space<hbm>> -> memref<512xf32, #tpu.memory_space<hbm>>
        tpu.wait_dma2 semaphore(%arg15 : memref<!tpu.dma_semaphore, #tpu.memory_space<semaphore_mem>>) src(%dma_wait3A_109 : memref<512xf32, #tpu.memory_space<hbm>>) dst(%arg7 : memref<512xf32, #tpu.memory_space<vmem>>)
      } else {
      }
      %add3A_52 = arith.constant 1 : i32
      %add3A_53 = arith.addi %mul3A_37, %add3A_52 : i32
      %mul3A_54 = arith.constant 98 : i32
      %mul3A_55 = arith.muli %add3A, %mul3A_54 : i32
      %add3A_56 = arith.addi %mul3A_55, %add3A_53 : i32
      %mul3A_57 = arith.constant 32 : i32
      %mul3A_58 = arith.muli %add3A_56, %mul3A_57 : i32
      %multiple_of3A_59 = tpu.assume_multiple %mul3A_58, 8 : i32
      %dma_start3A_60 = arith.constant 0 : i32
      %dma_start3A_61 = tpu.memref_slice %arg3[%multiple_of3A_59, %dma_start3A_60] : memref<100352x128xi32, #tpu.memory_space<hbm>> -> memref<32x128xi32, #tpu.memory_space<hbm>>
      %dma_start3A_62 = arith.constant 0 : i32
      %dma_start3A_63 = tpu.memref_slice %arg3[%multiple_of3A_59, %dma_start3A_62] : memref<100352x128xi32, #tpu.memory_space<hbm>> -> memref<32x128xi32, #tpu.memory_space<hbm>>
      tpu.enqueue_dma source(%dma_start3A_63 : memref<32x128xi32, #tpu.memory_space<hbm>>) target(%arg9 : memref<32x128xi32, #tpu.memory_space<vmem>>) target_semaphore(%arg14 : memref<!tpu.dma_semaphore, #tpu.memory_space<semaphore_mem>>)
      %scan3A_64 = arith.constant 0 : i32
      %scan3A_65 = arith.constant 0 : i32
      %scan3A_66 = arith.constant 4 : i32
      %scan3A_67 = arith.addi %scan3A_65, %scan3A_66 : i32
      %scan3A_68 = arith.constant 1 : i32
      scf.for %scan3A_102 = %scan3A_65 to %scan3A_67 step %scan3A_68  : i32 {
        %mul3A_103 = arith.constant 128 : i32
        %mul3A_104 = arith.muli %scan3A_102, %mul3A_103 : i32
        %add3A_105 = arith.constant 4 : i32
        %add3A_106 = arith.addi %add3A_105, %scan3A_102 : i32
        %dma_start3A_107 = tpu.memref_slice %arg7[%mul3A_104] : memref<512xf32, #tpu.memory_space<vmem>> -> memref<128xf32, #tpu.memory_space<vmem>>
        %dma_start3A_108 = arith.constant 0 : i32
        %dma_start3A_109 = tpu.memref_slice %arg6[%add3A_106, %dma_start3A_108] : memref<32x128xi32, #tpu.memory_space<vmem>> -> memref<1x128xi32, #tpu.memory_space<vmem>>
        %dma_start3A_110 = tpu.memref_squeeze %dma_start3A_109 : memref<1x128xi32, #tpu.memory_space<vmem>> -> memref<128xi32, #tpu.memory_space<vmem>>
        %dma_start3A_111 = arith.constant 0 : i32
        %dma_start3A_112 = tpu.memref_slice %arg13[%dma_start3A_111] : memref<100352xf32, #tpu.memory_space<vmem_shared>> -> memref<100352xf32, #tpu.memory_space<vmem_shared>>
        tpu.enqueue_indirect_dma source(%dma_start3A_107 : memref<128xf32, #tpu.memory_space<vmem>>) target(%dma_start3A_112 : memref<100352xf32, #tpu.memory_space<vmem_shared>>) offsets(%dma_start3A_110 : memref<128xi32, #tpu.memory_space<vmem>>) semaphore(%arg15 : memref<!tpu.dma_semaphore, #tpu.memory_space<semaphore_mem>>) {add = true}
        %mul3A_113 = arith.constant 128 : i32
        %mul3A_114 = arith.muli %scan3A_102, %mul3A_113 : i32
        %add3A_115 = arith.constant 8 : i32
        %add3A_116 = arith.addi %add3A_115, %scan3A_102 : i32
        %dma_start3A_117 = tpu.memref_slice %arg8[%mul3A_114] : memref<512xf32, #tpu.memory_space<vmem>> -> memref<128xf32, #tpu.memory_space<vmem>>
        %dma_start3A_118 = arith.constant 0 : i32
        %dma_start3A_119 = tpu.memref_slice %arg6[%add3A_116, %dma_start3A_118] : memref<32x128xi32, #tpu.memory_space<vmem>> -> memref<1x128xi32, #tpu.memory_space<vmem>>
        %dma_start3A_120 = tpu.memref_squeeze %dma_start3A_119 : memref<1x128xi32, #tpu.memory_space<vmem>> -> memref<128xi32, #tpu.memory_space<vmem>>
        %dma_start3A_121 = arith.constant 0 : i32
        %dma_start3A_122 = tpu.memref_slice %arg13[%dma_start3A_121] : memref<100352xf32, #tpu.memory_space<vmem_shared>> -> memref<100352xf32, #tpu.memory_space<vmem_shared>>
        tpu.enqueue_indirect_dma source(%dma_start3A_117 : memref<128xf32, #tpu.memory_space<vmem>>) target(%dma_start3A_122 : memref<100352xf32, #tpu.memory_space<vmem_shared>>) offsets(%dma_start3A_120 : memref<128xi32, #tpu.memory_space<vmem>>) semaphore(%arg15 : memref<!tpu.dma_semaphore, #tpu.memory_space<semaphore_mem>>) {add = true}
      }
      %scan3A_69 = arith.constant 4 : i32
      %dma_wait3A_70 = arith.constant 0 : i32
      %dma_wait3A_71 = arith.constant 0 : i32
      %dma_wait3A_72 = tpu.memref_slice %arg3[%dma_wait3A_70, %dma_wait3A_71] : memref<100352x128xi32, #tpu.memory_space<hbm>> -> memref<32x128xi32, #tpu.memory_space<hbm>>
      %dma_wait3A_73 = arith.constant 0 : i32
      %dma_wait3A_74 = arith.constant 0 : i32
      %dma_wait3A_75 = tpu.memref_slice %arg3[%dma_wait3A_73, %dma_wait3A_74] : memref<100352x128xi32, #tpu.memory_space<hbm>> -> memref<32x128xi32, #tpu.memory_space<hbm>>
      tpu.wait_dma2 semaphore(%arg14 : memref<!tpu.dma_semaphore, #tpu.memory_space<semaphore_mem>>) src(%dma_wait3A_75 : memref<32x128xi32, #tpu.memory_space<hbm>>) dst(%arg6 : memref<32x128xi32, #tpu.memory_space<vmem>>)
      %scan3A_76 = arith.constant 0 : i32
      %scan3A_77 = arith.constant 0 : i32
      %scan3A_78 = arith.constant 32 : i32
      %scan3A_79 = arith.addi %scan3A_77, %scan3A_78 : i32
      %scan3A_80 = arith.constant 1 : i32
      scf.for %scan3A_102 = %scan3A_77 to %scan3A_79 step %scan3A_80  : i32 {
        %mul3A_103 = arith.constant 16 : i32
        %mul3A_104 = arith.muli %scan3A_102, %mul3A_103 : i32
        %jit3A = arith.constant 8 : i32
        %div3A = arith.divsi %scan3A_102, %jit3A : i32
        %sign3A = arith.constant 0 : i32
        %sign3A_105 = arith.cmpi sgt, %scan3A_102, %sign3A : i32
        %sign3A_106 = arith.extui %sign3A_105 : i1 to i32
        %sign3A_107 = arith.constant 0 : i32
        %sign3A_108 = arith.cmpi slt, %scan3A_102, %sign3A_107 : i32
        %sign3A_109 = arith.extui %sign3A_108 : i1 to i32
        %sign3A_110 = arith.subi %sign3A_106, %sign3A_109 : i32
        %sign3A_111 = arith.constant 0 : i32
        %sign3A_112 = arith.cmpi sgt, %jit3A, %sign3A_111 : i32
        %sign3A_113 = arith.extui %sign3A_112 : i1 to i32
        %sign3A_114 = arith.constant 0 : i32
        %sign3A_115 = arith.cmpi slt, %jit3A, %sign3A_114 : i32
        %sign3A_116 = arith.extui %sign3A_115 : i1 to i32
        %sign3A_117 = arith.subi %sign3A_113, %sign3A_116 : i32
        %ne3A = arith.cmpi ne, %sign3A_110, %sign3A_117 : i32
        %rem3A = arith.remsi %scan3A_102, %jit3A : i32
        %ne3A_118 = arith.constant 0 : i32
        %ne3A_119 = arith.cmpi ne, %rem3A, %ne3A_118 : i32
        %and3A = arith.andi %ne3A, %ne3A_119 : i1
        %sub3A = arith.constant 1 : i32
        %sub3A_120 = arith.subi %div3A, %sub3A : i32
        %select_n3A = arith.select %and3A, %sub3A_120, %div3A : i32
        %jit3A_121 = arith.constant 8 : i32
        %eq3A = arith.constant 0 : i32
        %eq3A_122 = arith.cmpi eq, %jit3A_121, %eq3A : i32
        %jit3A_123 = arith.constant 1 : i32
        %select_n3A_124 = arith.select %eq3A_122, %jit3A_123, %jit3A_121 : i32
        %rem3A_125 = arith.remsi %scan3A_102, %select_n3A_124 : i32
        %ne3A_126 = arith.constant 0 : i32
        %ne3A_127 = arith.cmpi ne, %rem3A_125, %ne3A_126 : i32
        %lt3A_128 = arith.constant 0 : i32
        %lt3A_129 = arith.cmpi slt, %rem3A_125, %lt3A_128 : i32
        %lt3A_130 = arith.constant 0 : i32
        %lt3A_131 = arith.cmpi slt, %select_n3A_124, %lt3A_130 : i32
        %ne3A_132 = arith.xori %lt3A_129, %lt3A_131 : i1
        %and3A_133 = arith.andi %ne3A_132, %ne3A_127 : i1
        %add3A_134 = arith.addi %rem3A_125, %select_n3A_124 : i32
        %select_n3A_135 = arith.select %and3A_133, %add3A_134, %rem3A_125 : i32
        %mul3A_136 = arith.constant 16 : i32
        %mul3A_137 = arith.muli %select_n3A_135, %mul3A_136 : i32
        %get3A = arith.index_cast %select_n3A : i32 to index
        %get3A_138 = arith.index_cast %mul3A_137 : i32 to index
        %get3A_139 = tpu.vector_load %arg9[%get3A, %get3A_138] {strides = array<i32>} : memref<32x128xi32, #tpu.memory_space<vmem>>, vector<16xi32>,
        %gather3A = tpu.vector_load_idx %arg5[%get3A_139] : memref<100000xf32, #tpu.memory_space<vmem>>[vector<16xi32>], vector<16xf32>,
        %add3A_140 = arith.constant 1 : i32
        %add3A_141 = vector.broadcast %add3A_140 : i32 to vector<16xi32>
        %add3A_142 = arith.addi %get3A_139, %add3A_141 : vector<16xi32>
        %gather3A_143 = tpu.vector_load_idx %arg5[%add3A_142] : memref<100000xf32, #tpu.memory_space<vmem>>[vector<16xi32>], vector<16xf32>,
        %add3A_144 = arith.constant 12 : i32
        %add3A_145 = arith.addi %add3A_144, %select_n3A : i32
        %get3A_146 = arith.index_cast %add3A_145 : i32 to index
        %get3A_147 = arith.index_cast %mul3A_137 : i32 to index
        %get3A_148 = tpu.vector_load %arg9[%get3A_146, %get3A_147] {strides = array<i32>} : memref<32x128xi32, #tpu.memory_space<vmem>>, vector<16xi32>,
        %bitcast3A = vector.bitcast %get3A_148 : vector<16xi32> to vector<16xf32>
        %add3A_149 = arith.constant 16 : i32
        %add3A_150 = arith.addi %add3A_149, %select_n3A : i32
        %get3A_151 = arith.index_cast %add3A_150 : i32 to index
        %get3A_152 = arith.index_cast %mul3A_137 : i32 to index
        %get3A_153 = tpu.vector_load %arg9[%get3A_151, %get3A_152] {strides = array<i32>} : memref<32x128xi32, #tpu.memory_space<vmem>>, vector<16xi32>,
        %bitcast3A_154 = vector.bitcast %get3A_153 : vector<16xi32> to vector<16xf32>
        %add3A_155 = arith.constant 20 : i32
        %add3A_156 = arith.addi %add3A_155, %select_n3A : i32
        %get3A_157 = arith.index_cast %add3A_156 : i32 to index
        %get3A_158 = arith.index_cast %mul3A_137 : i32 to index
        %get3A_159 = tpu.vector_load %arg9[%get3A_157, %get3A_158] {strides = array<i32>} : memref<32x128xi32, #tpu.memory_space<vmem>>, vector<16xi32>,
        %bitcast3A_160 = vector.bitcast %get3A_159 : vector<16xi32> to vector<16xf32>
        %add3A_161 = arith.constant 24 : i32
        %add3A_162 = arith.addi %add3A_161, %select_n3A : i32
        %get3A_163 = arith.index_cast %add3A_162 : i32 to index
        %get3A_164 = arith.index_cast %mul3A_137 : i32 to index
        %get3A_165 = tpu.vector_load %arg9[%get3A_163, %get3A_164] {strides = array<i32>} : memref<32x128xi32, #tpu.memory_space<vmem>>, vector<16xi32>,
        %bitcast3A_166 = vector.bitcast %get3A_165 : vector<16xi32> to vector<16xf32>
        %mul3A_167 = arith.mulf %bitcast3A, %gather3A : vector<16xf32>
        %mul3A_168 = arith.mulf %bitcast3A_154, %gather3A_143 : vector<16xf32>
        %add3A_169 = arith.addf %mul3A_167, %mul3A_168 : vector<16xf32>
        %swap3A = arith.index_cast %mul3A_104 : i32 to index
        %swap3A_170 = tpu.vector_load %arg10[%swap3A] {strides = array<i32>} : memref<512xf32, #tpu.memory_space<vmem>>, vector<16xf32>,
        tpu.vector_store %arg10[%swap3A], %add3A_169 {strides = array<i32>} : memref<512xf32, #tpu.memory_space<vmem>>, vector<16xf32>,
        %mul3A_171 = arith.mulf %bitcast3A_160, %gather3A : vector<16xf32>
        %mul3A_172 = arith.mulf %bitcast3A_166, %gather3A_143 : vector<16xf32>
        %add3A_173 = arith.addf %mul3A_171, %mul3A_172 : vector<16xf32>
        %swap3A_174 = arith.index_cast %mul3A_104 : i32 to index
        %swap3A_175 = tpu.vector_load %arg11[%swap3A_174] {strides = array<i32>} : memref<512xf32, #tpu.memory_space<vmem>>, vector<16xf32>,
        tpu.vector_store %arg11[%swap3A_174], %add3A_173 {strides = array<i32>} : memref<512xf32, #tpu.memory_space<vmem>>, vector<16xf32>,
      }
      %scan3A_81 = arith.constant 32 : i32
      %dma_wait3A_82 = arith.constant 0 : i32
      %dma_wait3A_83 = tpu.memref_slice %arg2[%dma_wait3A_82] : memref<100352xf32, #tpu.memory_space<hbm>> -> memref<512xf32, #tpu.memory_space<hbm>>
      %dma_wait3A_84 = arith.constant 0 : i32
      %dma_wait3A_85 = tpu.memref_slice %arg2[%dma_wait3A_84] : memref<100352xf32, #tpu.memory_space<hbm>> -> memref<512xf32, #tpu.memory_space<hbm>>
      tpu.wait_dma2 semaphore(%arg15 : memref<!tpu.dma_semaphore, #tpu.memory_space<semaphore_mem>>) src(%dma_wait3A_85 : memref<512xf32, #tpu.memory_space<hbm>>) dst(%arg7 : memref<512xf32, #tpu.memory_space<vmem>>)
      %dma_wait3A_86 = arith.constant 0 : i32
      %dma_wait3A_87 = tpu.memref_slice %arg2[%dma_wait3A_86] : memref<100352xf32, #tpu.memory_space<hbm>> -> memref<512xf32, #tpu.memory_space<hbm>>
      %dma_wait3A_88 = arith.constant 0 : i32
      %dma_wait3A_89 = tpu.memref_slice %arg2[%dma_wait3A_88] : memref<100352xf32, #tpu.memory_space<hbm>> -> memref<512xf32, #tpu.memory_space<hbm>>
      tpu.wait_dma2 semaphore(%arg15 : memref<!tpu.dma_semaphore, #tpu.memory_space<semaphore_mem>>) src(%dma_wait3A_89 : memref<512xf32, #tpu.memory_space<hbm>>) dst(%arg7 : memref<512xf32, #tpu.memory_space<vmem>>)
      %add3A_90 = arith.constant 1 : i32
      %add3A_91 = arith.addi %scan3A_35, %add3A_90 : i32
      %lt3A = arith.constant 49 : i32
      %lt3A_92 = arith.cmpi slt, %add3A_91, %lt3A : i32
      %convert_element_type3A_93 = arith.extui %lt3A_92 : i1 to i32
      %cond3A_94 = arith.constant 0 : i32
      %cond3A_95 = arith.cmpi ne, %convert_element_type3A_93, %cond3A_94 : i32
      scf.if %cond3A_95 {
        %add3A_102 = arith.constant 2 : i32
        %add3A_103 = arith.addi %mul3A_37, %add3A_102 : i32
        %mul3A_104 = arith.constant 98 : i32
        %mul3A_105 = arith.muli %add3A, %mul3A_104 : i32
        %add3A_106 = arith.addi %mul3A_105, %add3A_103 : i32
        %mul3A_107 = arith.constant 32 : i32
        %mul3A_108 = arith.muli %add3A_106, %mul3A_107 : i32
        %multiple_of3A_109 = tpu.assume_multiple %mul3A_108, 8 : i32
        %dma_start3A_110 = arith.constant 0 : i32
        %dma_start3A_111 = tpu.memref_slice %arg3[%multiple_of3A_109, %dma_start3A_110] : memref<100352x128xi32, #tpu.memory_space<hbm>> -> memref<32x128xi32, #tpu.memory_space<hbm>>
        %dma_start3A_112 = arith.constant 0 : i32
        %dma_start3A_113 = tpu.memref_slice %arg3[%multiple_of3A_109, %dma_start3A_112] : memref<100352x128xi32, #tpu.memory_space<hbm>> -> memref<32x128xi32, #tpu.memory_space<hbm>>
        tpu.enqueue_dma source(%dma_start3A_113 : memref<32x128xi32, #tpu.memory_space<hbm>>) target(%arg6 : memref<32x128xi32, #tpu.memory_space<vmem>>) target_semaphore(%arg14 : memref<!tpu.dma_semaphore, #tpu.memory_space<semaphore_mem>>)
      } else {
      }
      %scan3A_96 = arith.constant 0 : i32
      %scan3A_97 = arith.constant 0 : i32
      %scan3A_98 = arith.constant 4 : i32
      %scan3A_99 = arith.addi %scan3A_97, %scan3A_98 : i32
      %scan3A_100 = arith.constant 1 : i32
      scf.for %scan3A_102 = %scan3A_97 to %scan3A_99 step %scan3A_100  : i32 {
        %mul3A_103 = arith.constant 128 : i32
        %mul3A_104 = arith.muli %scan3A_102, %mul3A_103 : i32
        %add3A_105 = arith.constant 4 : i32
        %add3A_106 = arith.addi %add3A_105, %scan3A_102 : i32
        %dma_start3A_107 = tpu.memref_slice %arg10[%mul3A_104] : memref<512xf32, #tpu.memory_space<vmem>> -> memref<128xf32, #tpu.memory_space<vmem>>
        %dma_start3A_108 = arith.constant 0 : i32
        %dma_start3A_109 = tpu.memref_slice %arg9[%add3A_106, %dma_start3A_108] : memref<32x128xi32, #tpu.memory_space<vmem>> -> memref<1x128xi32, #tpu.memory_space<vmem>>
        %dma_start3A_110 = tpu.memref_squeeze %dma_start3A_109 : memref<1x128xi32, #tpu.memory_space<vmem>> -> memref<128xi32, #tpu.memory_space<vmem>>
        %dma_start3A_111 = arith.constant 0 : i32
        %dma_start3A_112 = tpu.memref_slice %arg13[%dma_start3A_111] : memref<100352xf32, #tpu.memory_space<vmem_shared>> -> memref<100352xf32, #tpu.memory_space<vmem_shared>>
        tpu.enqueue_indirect_dma source(%dma_start3A_107 : memref<128xf32, #tpu.memory_space<vmem>>) target(%dma_start3A_112 : memref<100352xf32, #tpu.memory_space<vmem_shared>>) offsets(%dma_start3A_110 : memref<128xi32, #tpu.memory_space<vmem>>) semaphore(%arg15 : memref<!tpu.dma_semaphore, #tpu.memory_space<semaphore_mem>>) {add = true}
        %mul3A_113 = arith.constant 128 : i32
        %mul3A_114 = arith.muli %scan3A_102, %mul3A_113 : i32
        %add3A_115 = arith.constant 8 : i32
        %add3A_116 = arith.addi %add3A_115, %scan3A_102 : i32
        %dma_start3A_117 = tpu.memref_slice %arg11[%mul3A_114] : memref<512xf32, #tpu.memory_space<vmem>> -> memref<128xf32, #tpu.memory_space<vmem>>
        %dma_start3A_118 = arith.constant 0 : i32
        %dma_start3A_119 = tpu.memref_slice %arg9[%add3A_116, %dma_start3A_118] : memref<32x128xi32, #tpu.memory_space<vmem>> -> memref<1x128xi32, #tpu.memory_space<vmem>>
        %dma_start3A_120 = tpu.memref_squeeze %dma_start3A_119 : memref<1x128xi32, #tpu.memory_space<vmem>> -> memref<128xi32, #tpu.memory_space<vmem>>
        %dma_start3A_121 = arith.constant 0 : i32
        %dma_start3A_122 = tpu.memref_slice %arg13[%dma_start3A_121] : memref<100352xf32, #tpu.memory_space<vmem_shared>> -> memref<100352xf32, #tpu.memory_space<vmem_shared>>
        tpu.enqueue_indirect_dma source(%dma_start3A_117 : memref<128xf32, #tpu.memory_space<vmem>>) target(%dma_start3A_122 : memref<100352xf32, #tpu.memory_space<vmem_shared>>) offsets(%dma_start3A_120 : memref<128xi32, #tpu.memory_space<vmem>>) semaphore(%arg15 : memref<!tpu.dma_semaphore, #tpu.memory_space<semaphore_mem>>) {add = true}
      }
      %scan3A_101 = arith.constant 4 : i32
    }
    %scan3A_22 = arith.constant 49 : i32
    %dma_wait3A = arith.constant 0 : i32
    %dma_wait3A_23 = tpu.memref_slice %arg2[%dma_wait3A] : memref<100352xf32, #tpu.memory_space<hbm>> -> memref<512xf32, #tpu.memory_space<hbm>>
    %dma_wait3A_24 = arith.constant 0 : i32
    %dma_wait3A_25 = tpu.memref_slice %arg2[%dma_wait3A_24] : memref<100352xf32, #tpu.memory_space<hbm>> -> memref<512xf32, #tpu.memory_space<hbm>>
    tpu.wait_dma2 semaphore(%arg15 : memref<!tpu.dma_semaphore, #tpu.memory_space<semaphore_mem>>) src(%dma_wait3A_25 : memref<512xf32, #tpu.memory_space<hbm>>) dst(%arg7 : memref<512xf32, #tpu.memory_space<vmem>>)
    %dma_wait3A_26 = arith.constant 0 : i32
    %dma_wait3A_27 = tpu.memref_slice %arg2[%dma_wait3A_26] : memref<100352xf32, #tpu.memory_space<hbm>> -> memref<512xf32, #tpu.memory_space<hbm>>
    %dma_wait3A_28 = arith.constant 0 : i32
    %dma_wait3A_29 = tpu.memref_slice %arg2[%dma_wait3A_28] : memref<100352xf32, #tpu.memory_space<hbm>> -> memref<512xf32, #tpu.memory_space<hbm>>
    tpu.wait_dma2 semaphore(%arg15 : memref<!tpu.dma_semaphore, #tpu.memory_space<semaphore_mem>>) src(%dma_wait3A_29 : memref<512xf32, #tpu.memory_space<hbm>>) dst(%arg7 : memref<512xf32, #tpu.memory_space<vmem>>)
    %barrier3A_30 = arith.constant 0 : index
    tpu.barrier barrier_id(%barrier3A_30)
    %mul3A_31 = arith.constant 6272 : i32
    %mul3A_32 = arith.muli %arg1, %mul3A_31 : i32
    "tpu.region"() ({
      %run_scoped3A = tpu.sem_alloc : memref<!tpu.dma_semaphore, #tpu.memory_space<semaphore_mem>>
      %dma_start3A_35 = tpu.memref_slice %arg13[%mul3A_32] : memref<100352xf32, #tpu.memory_space<vmem_shared>> -> memref<6272xf32, #tpu.memory_space<vmem_shared>>
      %dma_start3A_36 = tpu.memref_slice %arg13[%mul3A_32] : memref<100352xf32, #tpu.memory_space<vmem_shared>> -> memref<6272xf32, #tpu.memory_space<vmem_shared>>
      tpu.enqueue_dma source(%dma_start3A_36 : memref<6272xf32, #tpu.memory_space<vmem_shared>>) target(%arg12 : memref<6272xf32, #tpu.memory_space<vmem>>) target_semaphore(%run_scoped3A : memref<!tpu.dma_semaphore, #tpu.memory_space<semaphore_mem>>)
      %dma_wait3A_37 = tpu.memref_slice %arg13[%mul3A_32] : memref<100352xf32, #tpu.memory_space<vmem_shared>> -> memref<6272xf32, #tpu.memory_space<vmem_shared>>
      %dma_wait3A_38 = tpu.memref_slice %arg13[%mul3A_32] : memref<100352xf32, #tpu.memory_space<vmem_shared>> -> memref<6272xf32, #tpu.memory_space<vmem_shared>>
      tpu.wait_dma2 semaphore(%run_scoped3A : memref<!tpu.dma_semaphore, #tpu.memory_space<semaphore_mem>>) src(%dma_wait3A_38 : memref<6272xf32, #tpu.memory_space<vmem_shared>>) dst(%arg12 : memref<6272xf32, #tpu.memory_space<vmem>>)
      tpu.yield
    }) : () -> ()
    %mul3A_33 = arith.constant 6272 : i32
    %mul3A_34 = arith.muli %arg1, %mul3A_33 : i32
    "tpu.region"() ({
      %run_scoped3A = tpu.sem_alloc : memref<!tpu.dma_semaphore, #tpu.memory_space<semaphore_mem>>
      %dma_start3A_35 = tpu.memref_slice %arg4[%arg0, %mul3A_34] : memref<2x100352xf32, #tpu.memory_space<hbm>> -> memref<1x6272xf32, #tpu.memory_space<hbm>>
      %dma_start3A_36 = tpu.memref_squeeze %dma_start3A_35 : memref<1x6272xf32, #tpu.memory_space<hbm>> -> memref<6272xf32, #tpu.memory_space<hbm>>
      %dma_start3A_37 = tpu.memref_slice %arg4[%arg0, %mul3A_34] : memref<2x100352xf32, #tpu.memory_space<hbm>> -> memref<1x6272xf32, #tpu.memory_space<hbm>>
      %dma_start3A_38 = tpu.memref_squeeze %dma_start3A_37 : memref<1x6272xf32, #tpu.memory_space<hbm>> -> memref<6272xf32, #tpu.memory_space<hbm>>
      tpu.enqueue_dma source(%arg12 : memref<6272xf32, #tpu.memory_space<vmem>>) target(%dma_start3A_38 : memref<6272xf32, #tpu.memory_space<hbm>>) target_semaphore(%run_scoped3A : memref<!tpu.dma_semaphore, #tpu.memory_space<semaphore_mem>>)
      %dma_wait3A_39 = tpu.memref_slice %arg4[%arg0, %mul3A_34] : memref<2x100352xf32, #tpu.memory_space<hbm>> -> memref<1x6272xf32, #tpu.memory_space<hbm>>
      %dma_wait3A_40 = tpu.memref_squeeze %dma_wait3A_39 : memref<1x6272xf32, #tpu.memory_space<hbm>> -> memref<6272xf32, #tpu.memory_space<hbm>>
      %dma_wait3A_41 = tpu.memref_slice %arg4[%arg0, %mul3A_34] : memref<2x100352xf32, #tpu.memory_space<hbm>> -> memref<1x6272xf32, #tpu.memory_space<hbm>>
      %dma_wait3A_42 = tpu.memref_squeeze %dma_wait3A_41 : memref<1x6272xf32, #tpu.memory_space<hbm>> -> memref<6272xf32, #tpu.memory_space<hbm>>
      tpu.wait_dma2 semaphore(%run_scoped3A : memref<!tpu.dma_semaphore, #tpu.memory_space<semaphore_mem>>) src(%arg12 : memref<6272xf32, #tpu.memory_space<vmem>>) dst(%dma_wait3A_42 : memref<6272xf32, #tpu.memory_space<hbm>>)
      tpu.yield
    }) : () -> ()
    return
  }
}

module attributes {stable_mosaic.version = 14 : i64} {
  func.func @_tc_init_body(%arg0: memref<2x784x128xf32, #tpu.memory_space<vmem>>, %arg1: memref<784x128xf32, #tpu.memory_space<vmem>>, %arg2: memref<784x128xf32, #tpu.memory_space<vmem>>, %arg3: memref<784x128xf32, #tpu.memory_space<vmem>>) attributes {dimension_semantics = [], scalar_prefetch = 0 : i64, scratch_operands = 0 : i64, tpu.core_type = #tpu.core_type<tc>} {
    %get3A = arith.constant 0 : index
    %get3A_0 = arith.constant 0 : index
    %get3A_1 = arith.constant 0 : index
    %get3A_2 = vector.load %arg0[%get3A, %get3A_0, %get3A_1] : memref<2x784x128xf32, #tpu.memory_space<vmem>>, vector<1x784x128xf32>
    %get3A_3 = vector.shape_cast %get3A_2 : vector<1x784x128xf32> to vector<784x128xf32>
    %get3A_4 = arith.constant 1 : index
    %get3A_5 = arith.constant 0 : index
    %get3A_6 = arith.constant 0 : index
    %get3A_7 = vector.load %arg0[%get3A_4, %get3A_5, %get3A_6] : memref<2x784x128xf32, #tpu.memory_space<vmem>>, vector<1x784x128xf32>
    %get3A_8 = vector.shape_cast %get3A_7 : vector<1x784x128xf32> to vector<784x128xf32>
    %add3A = arith.addf %get3A_3, %get3A_8 : vector<784x128xf32>
    %get3A_9 = arith.constant 0 : index
    %get3A_10 = arith.constant 0 : index
    %get3A_11 = vector.load %arg1[%get3A_9, %get3A_10] : memref<784x128xf32, #tpu.memory_space<vmem>>, vector<784x128xf32>
    %sub3A = arith.subf %add3A, %get3A_11 : vector<784x128xf32>
    %swap3A = arith.constant 0 : index
    %swap3A_12 = arith.constant 0 : index
    %swap3A_13 = vector.load %arg2[%swap3A, %swap3A_12] : memref<784x128xf32, #tpu.memory_space<vmem>>, vector<784x128xf32>
    tpu.vector_store %arg2[%swap3A, %swap3A_12], %sub3A {strides = array<i32>} : memref<784x128xf32, #tpu.memory_space<vmem>>, vector<784x128xf32>,
    %neg3A = arith.constant 0.000000e+00 : f32
    %neg3A_14 = vector.broadcast %neg3A : f32 to vector<784x128xf32>
    %neg3A_15 = arith.subf %neg3A_14, %sub3A : vector<784x128xf32>
    %swap3A_16 = arith.constant 0 : index
    %swap3A_17 = arith.constant 0 : index
    %swap3A_18 = vector.load %arg3[%swap3A_16, %swap3A_17] : memref<784x128xf32, #tpu.memory_space<vmem>>, vector<784x128xf32>
    tpu.vector_store %arg3[%swap3A_16, %swap3A_17], %neg3A_15 {strides = array<i32>} : memref<784x128xf32, #tpu.memory_space<vmem>>, vector<784x128xf32>,
    return
  }
}

module attributes {stable_mosaic.version = 14 : i64} {
  func.func @_tc_update_body(%arg0: memref<2x784x128xf32, #tpu.memory_space<vmem>>, %arg1: memref<784x128xf32, #tpu.memory_space<vmem>>, %arg2: memref<784x128xf32, #tpu.memory_space<vmem>>, %arg3: memref<784x128xf32, #tpu.memory_space<vmem>>, %arg4: memref<784x128xf32, #tpu.memory_space<vmem>>, %arg5: memref<784x128xf32, #tpu.memory_space<vmem>>, %arg6: memref<784x128xf32, #tpu.memory_space<vmem>>) attributes {dimension_semantics = [], scalar_prefetch = 0 : i64, scratch_operands = 0 : i64, tpu.core_type = #tpu.core_type<tc>} {
    %get3A = arith.constant 0 : index
    %get3A_0 = arith.constant 0 : index
    %get3A_1 = arith.constant 0 : index
    %get3A_2 = vector.load %arg0[%get3A, %get3A_0, %get3A_1] : memref<2x784x128xf32, #tpu.memory_space<vmem>>, vector<1x784x128xf32>
    %get3A_3 = vector.shape_cast %get3A_2 : vector<1x784x128xf32> to vector<784x128xf32>
    %get3A_4 = arith.constant 1 : index
    %get3A_5 = arith.constant 0 : index
    %get3A_6 = arith.constant 0 : index
    %get3A_7 = vector.load %arg0[%get3A_4, %get3A_5, %get3A_6] : memref<2x784x128xf32, #tpu.memory_space<vmem>>, vector<1x784x128xf32>
    %get3A_8 = vector.shape_cast %get3A_7 : vector<1x784x128xf32> to vector<784x128xf32>
    %add3A = arith.addf %get3A_3, %get3A_8 : vector<784x128xf32>
    %get3A_9 = arith.constant 0 : index
    %get3A_10 = arith.constant 0 : index
    %get3A_11 = vector.load %arg2[%get3A_9, %get3A_10] : memref<784x128xf32, #tpu.memory_space<vmem>>, vector<784x128xf32>
    %get3A_12 = arith.constant 0 : index
    %get3A_13 = arith.constant 0 : index
    %get3A_14 = vector.load %arg1[%get3A_12, %get3A_13] : memref<784x128xf32, #tpu.memory_space<vmem>>, vector<784x128xf32>
    %mul3A = arith.mulf %get3A_11, %get3A_11 : vector<784x128xf32>
    %reduce_sum3A = vector.shape_cast %mul3A : vector<784x128xf32> to vector<1x784x128xf32>
    %reduce_sum3A_15 = arith.constant dense<0.000000e+00> : vector<1xf32>
    %reduce_sum3A_16 = vector.multi_reduction <add>, %reduce_sum3A, %reduce_sum3A_15 [1, 2] : vector<1x784x128xf32> to vector<1xf32>
    %reduce_sum3A_17 = vector.shape_cast %reduce_sum3A_16 : vector<1xf32> to vector<1x1x1xf32>
    %reduce_sum3A_18 = vector.extract %reduce_sum3A_17[0, 0, 0] : f32 from vector<1x1x1xf32>
    %mul3A_19 = arith.mulf %get3A_14, %add3A : vector<784x128xf32>
    %reduce_sum3A_20 = vector.shape_cast %mul3A_19 : vector<784x128xf32> to vector<1x784x128xf32>
    %reduce_sum3A_21 = arith.constant dense<0.000000e+00> : vector<1xf32>
    %reduce_sum3A_22 = vector.multi_reduction <add>, %reduce_sum3A_20, %reduce_sum3A_21 [1, 2] : vector<1x784x128xf32> to vector<1xf32>
    %reduce_sum3A_23 = vector.shape_cast %reduce_sum3A_22 : vector<1xf32> to vector<1x1x1xf32>
    %reduce_sum3A_24 = vector.extract %reduce_sum3A_23[0, 0, 0] : f32 from vector<1x1x1xf32>
    %div3A = arith.divf %reduce_sum3A_18, %reduce_sum3A_24 : f32
    %get3A_25 = arith.constant 0 : index
    %get3A_26 = arith.constant 0 : index
    %get3A_27 = vector.load %arg3[%get3A_25, %get3A_26] : memref<784x128xf32, #tpu.memory_space<vmem>>, vector<784x128xf32>
    %mul3A_28 = vector.broadcast %div3A : f32 to vector<784x128xf32>
    %mul3A_29 = arith.mulf %mul3A_28, %get3A_14 : vector<784x128xf32>
    %add3A_30 = arith.addf %get3A_27, %mul3A_29 : vector<784x128xf32>
    %swap3A = arith.constant 0 : index
    %swap3A_31 = arith.constant 0 : index
    %swap3A_32 = vector.load %arg4[%swap3A, %swap3A_31] : memref<784x128xf32, #tpu.memory_space<vmem>>, vector<784x128xf32>
    tpu.vector_store %arg4[%swap3A, %swap3A_31], %add3A_30 {strides = array<i32>} : memref<784x128xf32, #tpu.memory_space<vmem>>, vector<784x128xf32>,
    %mul3A_33 = vector.broadcast %div3A : f32 to vector<784x128xf32>
    %mul3A_34 = arith.mulf %mul3A_33, %add3A : vector<784x128xf32>
    %add3A_35 = arith.addf %get3A_11, %mul3A_34 : vector<784x128xf32>
    %swap3A_36 = arith.constant 0 : index
    %swap3A_37 = arith.constant 0 : index
    %swap3A_38 = vector.load %arg5[%swap3A_36, %swap3A_37] : memref<784x128xf32, #tpu.memory_space<vmem>>, vector<784x128xf32>
    tpu.vector_store %arg5[%swap3A_36, %swap3A_37], %add3A_35 {strides = array<i32>} : memref<784x128xf32, #tpu.memory_space<vmem>>, vector<784x128xf32>,
    %mul3A_39 = arith.mulf %add3A_35, %add3A_35 : vector<784x128xf32>
    %reduce_sum3A_40 = vector.shape_cast %mul3A_39 : vector<784x128xf32> to vector<1x784x128xf32>
    %reduce_sum3A_41 = arith.constant dense<0.000000e+00> : vector<1xf32>
    %reduce_sum3A_42 = vector.multi_reduction <add>, %reduce_sum3A_40, %reduce_sum3A_41 [1, 2] : vector<1x784x128xf32> to vector<1xf32>
    %reduce_sum3A_43 = vector.shape_cast %reduce_sum3A_42 : vector<1xf32> to vector<1x1x1xf32>
    %reduce_sum3A_44 = vector.extract %reduce_sum3A_43[0, 0, 0] : f32 from vector<1x1x1xf32>
    %div3A_45 = arith.divf %reduce_sum3A_44, %reduce_sum3A_18 : f32
    %neg3A = arith.constant 0.000000e+00 : f32
    %neg3A_46 = vector.broadcast %neg3A : f32 to vector<784x128xf32>
    %neg3A_47 = arith.subf %neg3A_46, %add3A_35 : vector<784x128xf32>
    %mul3A_48 = vector.broadcast %div3A_45 : f32 to vector<784x128xf32>
    %mul3A_49 = arith.mulf %mul3A_48, %get3A_14 : vector<784x128xf32>
    %add3A_50 = arith.addf %neg3A_47, %mul3A_49 : vector<784x128xf32>
    %swap3A_51 = arith.constant 0 : index
    %swap3A_52 = arith.constant 0 : index
    %swap3A_53 = vector.load %arg6[%swap3A_51, %swap3A_52] : memref<784x128xf32, #tpu.memory_space<vmem>>, vector<784x128xf32>
    tpu.vector_store %arg6[%swap3A_51, %swap3A_52], %add3A_50 {strides = array<i32>} : memref<784x128xf32, #tpu.memory_space<vmem>>, vector<784x128xf32>,
    return
  }
}

</mosaic_0001>

<sc_bundles>
// kernel: closed_call.15.cloned.1.call-start
scs
__scs_entry_jumppad:
0x0: {  	(pc) =	sbr.rel $0x88, $3  }
0x1: {  	(tag) =	ssettag $0x0;
	lr =	simm.s32 $0x1  }
0x2: {  	[smem:$0x3F9C] =	sst lr;
	_ =	strace $0xD0000000  }
0x3: {  	_ = 	snop  }
0x4: {  	_ = 	snop  }
0x5: {  	_ = 	snop  }
0x6: {  	_ = 	snop  }
0x7: {  	_ = 	snop  }
__scs_overlays_trampoline_lowered:
0x8: {  	[smem:$0x3FAB] =	sst s0  }
0x9: {  	[smem:$0x3FAC] =	sst s1  }
0xa: {  	[smem:$0x3FAD] =	sst s2  }
0xb: {  	[smem:$0x3FAE] =	sst s3  }
0xc: {  	[smem:$0x3FAF] =	sst s4  }
0xd: {  	[smem:$0x3FB0] =	sst s5  }
0xe: {  	[smem:$0x3FB1] =	sst s6  }
0xf: {  	[smem:$0x3FB2] =	sst s7  }
0x10: {  	[smem:$0x3FB3] =	sst s8  }
0x11: {  	[smem:$0x3FB4] =	sst s9;
	s0 =	simm.s32 @!p0 $0x0  }
0x12: {  	s1 =	sld [smem:$0x3F9A];
	s0 =	simm.s32 @p0 $0x1  }
0x13: {  	[smem:$0x3FB5] =	sst s0;
	s0 =	simm.s32 @!p1 $0x0  }
0x14: {  	s2 =	sld [smem:$0x3F99];
	s0 =	simm.s32 @p1 $0x1  }
0x15: {  	[smem:$0x3FB6] =	sst s0;
	s0 =	simm.s32 @!p2 $0x0  }
0x16: {  	s3 =	sld [smem:$0x3FDB];
	s0 =	simm.s32 @p2 $0x1  }
0x17: {  	s4 =	simm.s32 $0x1BF5;
	[smem:$0x3FB8] =	sst s0  }
0x18: {  	s0 =	sld [smem:$0x3F9B];
	_ =	swait.ge [sflag:s4], $0x0  }
0x19: {  	s7 =	sld [smem:$0x3F9C]  }
0x1a: {  	s8 =	sadd.s32 $0xFFFFE003, lr  }
0x1b: {  	s9 =	sadd.s32 $0xFFFFFEF7, lr;
	s5 =	simm.s32 $0xFFFFFFFF;
	p2 =	slt.u32 s8, $0xFFFFF086  }
0x1c: {  	p1 =	slt.u32 s9, $0xF7A;
	s5 =	simm.s32 @!p2 $0x0  }
0x1d: {  	s5 =	simm.s32 @p1 $0x1;
	p0 =	seq.s32 s7, s2  }
0x1e: {  	s7 =	smul.u32 @!p0 $0xF7A, s2;
	p2 =	seq.s32 @!p0 s5, $0x0  }
0x1f: {  	s9 =	smul.u32 $0xF7A, s1;
	s8 =	simm.s32 @!p0 $0x1BF5;
	p2 =	por !p2, p0  }
0x20: {  	[sflag:s8] =	ssyncset.s32 @!p0 $0xFFFFF086;
	s6 =	sadd.s32 @!p0 s3, s7;
	s7 =	simm.s32 @!p0 $0x108  }
0x21: {  	s3 =	sadd.s32 s3, s9;
	s6 =	sadd.s32 @!p0 $0x88, s6;
	s7 =	simm.s32 @p2 $0x1082  }
0x22: {  	[simem:s7], [sflag:s8] =	dma.local @!p0 [hbm:s6], $0xF7A  }
0x23: {  	s9 =	sor.u32 $0xD0000000, s2;
	s6 =	simm.s32 $0x108;
	_ =	swait.ge @!p0 [sflag:s8], $0x0  }
0x24: {  	s3 =	sadd.s32 $0x88, s3;
	s6 =	simm.s32 @!p1 $0x1082;
	[sflag:s4] =	ssyncset.s32 $0xFFFFF086  }
0x25: {  	[simem:s6], [sflag:s4] =	dma.local [hbm:s3], $0xF7A  }
0x26: {  	[smem:$0x3F9C] =	sst s1;
	(tag) =	ssettag s2;
	_ =	strace s9  }
0x27: {  	s1 =	sld [smem:$0x3FAC]  }
0x28: {  	s2 =	sld [smem:$0x3FAD]  }
0x29: {  	s4 =	sld [smem:$0x3FAF]  }
0x2a: {  	p0 =	seq.s32 s5, $0x0;
	s5 =	sld [smem:$0x3FB0]  }
0x2b: {  	s6 =	sld [smem:$0x3FB1]  }
0x2c: {  	s7 =	sld [smem:$0x3FB2]  }
0x2d: {  	s3 =	simm.s32 $0x108;
	s8 =	sld [smem:$0x3FB3]  }
0x2e: {  	s3 =	simm.s32 @!p0 $0x1082;
	s9 =	sld [smem:$0x3FB4]  }
0x2f: {  	lr =	sadd.s32 s0, s3;
	s0 =	sld [smem:$0x3FAB]  }
0x30: {  	s3 =	sld [smem:$0x3FAE]  }
0x31: {  	[smem:$0x3FB7] =	sst s10  }
0x32: {  	s10 =	sld [smem:$0x3FB5];
	_ =	sdelay $0x3  }
0x33: {  	p0 =	seq.s32 s10, $0x1;
	s10 =	sld [smem:$0x3FB7];
	_ =	sdelay $0x3  }
0x34: {  	[smem:$0x3FB7] =	sst s10  }
0x35: {  	s10 =	sld [smem:$0x3FB6];
	_ =	sdelay $0x3  }
0x36: {  	p1 =	seq.s32 s10, $0x1;
	s10 =	sld [smem:$0x3FB7];
	_ =	sdelay $0x3  }
0x37: {  	[smem:$0x3FB7] =	sst s10  }
0x38: {  	s10 =	sld [smem:$0x3FB8]  }
0x39: {  	_ = 	snop;
	(pc) =	sbr.ind lr, $3  }
0x3a: {  	_ = 	snop  }
0x3b: {  	_ = 	snop  }
0x3c: {  	p2 =	seq.s32 s10, $0x1;
	s10 =	sld [smem:$0x3FB7]  }
0x3d: {  	_ =	shalt  }
0x3e: {  	_ =	shalt  }
0x3f: {  	_ =	shalt  }
0x40: {  	_ =	shalt  }
0x41: {  	_ =	shalt  }
0x42: {  	_ =	shalt  }
0x43: {  	_ =	shalt  }
0x44: {  	_ =	shalt  }
0x45: {  	_ =	shalt  }
0x46: {  	_ =	shalt  }
0x47: {  	_ =	shalt  }
0x48: {  	_ =	shalt  }
0x49: {  	_ =	shalt  }
0x4a: {  	_ =	shalt  }
0x4b: {  	_ =	shalt  }
0x4c: {  	_ =	shalt  }
0x4d: {  	_ =	shalt  }
0x4e: {  	_ =	shalt  }
0x4f: {  	_ =	shalt  }
0x50: {  	_ =	shalt  }
0x51: {  	_ =	shalt  }
0x52: {  	_ =	shalt  }
0x53: {  	_ =	shalt  }
0x54: {  	_ =	shalt  }
0x55: {  	_ =	shalt  }
0x56: {  	_ =	shalt  }
0x57: {  	_ =	shalt  }
0x58: {  	_ =	shalt  }
0x59: {  	_ =	shalt  }
0x5a: {  	_ =	shalt  }
0x5b: {  	_ =	shalt  }
0x5c: {  	_ =	shalt  }
0x5d: {  	_ =	shalt  }
0x5e: {  	_ =	shalt  }
0x5f: {  	_ =	shalt  }
0x60: {  	_ =	shalt  }
0x61: {  	_ =	shalt  }
0x62: {  	_ =	shalt  }
0x63: {  	_ =	shalt  }
0x64: {  	_ =	shalt  }
0x65: {  	_ =	shalt  }
0x66: {  	_ =	shalt  }
0x67: {  	_ =	shalt  }
0x68: {  	_ =	shalt  }
0x69: {  	_ =	shalt  }
0x6a: {  	_ =	shalt  }
0x6b: {  	_ =	shalt  }
0x6c: {  	_ =	shalt  }
0x6d: {  	_ =	shalt  }
0x6e: {  	_ =	shalt  }
0x6f: {  	_ =	shalt  }
0x70: {  	_ =	shalt  }
0x71: {  	_ =	shalt  }
0x72: {  	_ =	shalt  }
0x73: {  	_ =	shalt  }
0x74: {  	_ =	shalt  }
0x75: {  	_ =	shalt  }
0x76: {  	_ =	shalt  }
0x77: {  	_ =	shalt  }
0x78: {  	_ =	shalt  }
0x79: {  	_ =	shalt  }
0x7a: {  	_ =	shalt  }
0x7b: {  	_ =	shalt  }
0x7c: {  	_ =	shalt  }
0x7d: {  	_ =	shalt  }
0x7e: {  	_ =	shalt  }
0x7f: {  	_ =	shalt  }
0x80: {  	_ =	shalt  }
0x81: {  	_ =	shalt  }
0x82: {  	_ =	shalt  }
0x83: {  	_ =	shalt  }
0x84: {  	_ =	shalt  }
0x85: {  	_ =	shalt  }
0x86: {  	_ =	shalt  }
0x87: {  	_ =	shalt  }
.Lfunc_end0:
.L_simem_size_0:
called_computation_lowered:
.L_overlay_start_0:
0x88: {  	s2 =	sld [smem:$0x3FD9]  }
0x89: {  	s3 =	sld [smem:$0x3FFE];
	_ =	sdelay $0x1  }
0x8a: {  	s1 =	srdreg.scid  }
0x8b: {  	s0 =	sand.u32 $0x1, s1  }
0x8c: {  	s17 =	sshll.u32 s0, $0xA;
	s2 =	sadd.s32 s3, s2  }
0x8d: {  	s2 =	sadd.s32 s2, s17  }
0x8e: {  	[smem:$0x3FC3] =	sst s2  }
0x8f: {  	_ = 	snop  }
0x90: {  	s2 =	sld [smem:$0x3FD0];
	(tm) =	ssettm $0x1  }
0x91: {  	s18 =	sld [smem:$0x3FFB];
	_ =	sdelay $0x3  }
0x92: {  	_ =	strace s18  }
0x93: {  	s3 =	sld [smem:$0x3FFC];
	_ =	sdelay $0x3  }
0x94: {  	_ =	strace s3  }
0x95: {  	s3 =	sld [smem:$0x3FFD];
	_ =	sdelay $0x3  }
0x96: {  	_ =	strace s3  }
0x97: {  	_ =	strace $0x8FFFFFFF  }
0x98: {  	s19 =	sld [smem:$0x3FDB];
	_ =	sdelay $0x1  }
0x99: {  	s4 =	simm.s32 $_scs_section_size  }
0x9a: {  	s5 =	simm.s32 $_size__tile_overlayer_lowered;
	s6 =	simm.s32 $_tile_overlayer_lowered  }
0x9b: {  	s22 =	simm.s32 $0x1BFF;
	s21 =	sshll.u32 s6, $0x1;
	s3 =	sadd.s32 s4, s19  }
0x9c: {  	s7 =	simm.s32 $0x0;
	s20 =	sshll.u32 s5, $0x1;
	s5 =	sadd.s32 s21, s3  }
0x9d: {  	[timem:s7], [sflag:s22] =	dma.local [hbm:s5], s20  }
0x9e: {  	_ =	swait.ge [sflag:s22], s20  }
0x9f: {  	s4 =	ssub.s32 $0x0, s20;
	[sflag:s22] =	ssyncset.done $0x0  }
0xa0: {  	[sflag:s22] =	ssyncadd.s32 s4;
	_ =	sdelay $0x1  }
0xa1: {  	s23 =	simm.s32 $0x1B8B  }
0xa2: {  	_ =	swait.ge [sflag:s23], $0x1  }
0xa3: {  	[sflag:s23] =	ssyncset.done $0x0  }
0xa4: {  	s25 =	simm.s32 $0x1B8E;
	s24 =	sld [smem:$0x3FFE];
	[sflag:s23] =	ssyncadd.s32 $0xFFFFFFFF  }
0xa5: {  	s26 =	simm.s32 $execute0_lowered;
	[smem:$0x3FD2] =	sst s25  }
0xa6: {  	s5 =	sshll.u32 s26, $0x1;
	_ =	strace $0x80000049;
	[dreg:$0x1] =	wrdreg $0xFFFFFFFF  }
0xa7: {  	s28 =	simm.s32 $_size_execute0_lowered;
	s3 =	sadd.s32 s3, s5;
	[dreg:$0x0] =	wrdreg $0x0  }
0xa8: {  	s5 =	sshll.u32 s28, $0x1;
	[dreg:$0x2] =	wrdreg s3  }
0xa9: {  	[dreg:$0x3] =	wrdreg s5  }
0xaa: {  	[dreg:$0x4] =	wrdreg $0xC0  }
0xab: {  	_ =	task [dreg:s7], $0x5FFFF  }
0xac: {  	[dreg:$0x1] =	wrdreg $0xFFFFFFFF  }
0xad: {  	[dreg:$0x0] =	wrdreg $0x60  }
0xae: {  	[dreg:$0x2] =	wrdreg s2  }
0xaf: {  	[dreg:$0x3] =	wrdreg s24  }
0xb0: {  	[dreg:$0x4] =	wrdreg $0x1C7800  }
0xb1: {  	[dreg:$0x5] =	wrdreg $0x9  }
0xb2: {  	_ =	task.clear_ibuf [dreg:s7], $0x6FFFF;
	_ =	strace $0x90000049  }
0xb3: {  	s29 =	simm.s32 $0x9;
	_ =	strace $0x8000004B  }
0xb4: {  	_ =	swait.ge [sflag:s29], $0x1  }
0xb5: {  	[sflag:s29] =	ssyncadd.s32 $0xFFFFFFFF  }
0xb6: {  	_ =	strace $0x9000004B  }
0xb7: {  	_ =	sfence  }
0xb8: {  	s30 =	sld [smem:$0x0];
	_ =	sdelay $0x2  }
0xb9: {  	s31 =	sshll.u32 s1, $0xD;
	s1 =	sshrl.u32 s1, $0x2  }
0xba: {  	s3 =	sand.u32 $0x4000, s31;
	s1 =	sadd.s32 s1, s30  }
0xbb: {  	s0 =	sor.u32 s3, s0;
	s1 =	sshll.u32 s1, $0x11  }
0xbc: {  	s0 =	sor.u32 s1, s0  }
0xbd: {  	s0 =	sadd.s32 $0x8F2B, s0  }
0xbe: {  	[sflag:s0] =	ssyncadd.remote.s32 $0x1  }
0xbf: {  	_ =	sfence.sel $0xFFFF  }
0xc0: {  	[dreg:$0x0] =	wrdreg $0xFFFFFFFF;
	(pc) =	sbr.abs _section_cstart, $3  }
0xc1: {  	[dreg:$0x1] =	wrdreg $0xFFFFFFFF  }
0xc2: {  	_ =	task.clear_ibuf [dreg:s7], $0x2FFFF;
	_ =	strace $0x9FFFFFFF  }
0xc3: {  	(tm) =	ssettm $0x7FFFFFFF  }
tec
execute0_lowered:
.L_overlay_start_1:
0x0: {  	(tag) =	ssettag $0x1  }
0x1: {  	s0 =	rddreg [dreg:$0x1]  }
0x2: {  	s3 =	rddreg [dreg:$0x2];
	s4 =	simm.s32 $0x0  }
0x3: {  	s1 =	srdreg.scid;
	s7 =	stileid.u32;
	s15 =	simm.s32 $0x1  }
0x4: {  	s17 =	simm.s32 $0x80;
	s14 =	simm.s32 $0x2;
	s13 =	simm.s32 $0x1AB80  }
0x5: {  	s16 =	simm.s32 $0x19F80;
	s18 =	simm.s32 $0x1AD80;
	s19 =	simm.s32 $0x19E00  }
0x6: {  	s20 =	simm.s32 $0x1AC00;
	s21 =	simm.s32 $0x1A000;
	s22 =	simm.s32 $0x1AE00  }
0x7: {  	s23 =	simm.s32 $0x19E80;
	s24 =	simm.s32 $0x1AC80;
	s25 =	simm.s32 $0x1A080  }
0x8: {  	s26 =	simm.s32 $0x1AE80;
	s28 =	simm.s32 $0x0;
	[smem:$0x7FF] =	sst s4  }
0x9: {  	s1 =	sand.u32 $0x1, s1;
	s2 =	smul.u32 $0x3100, s7;
	s5 =	sadd.s32 $0x21C000, s0  }
0xa: {  	s6 =	sshll.u32 s1, $0x7;
	s29 =	sshll.u32 s1, $0x4;
	s1 =	ssub.s32 $0x2, s1  }
0xb: {  	s2 =	sor.u32 s6, s2;
	s6 =	sor.u32 s7, s29;
	s7 =	smul.u32 $0x6200, s7  }
0xc: {  	_ =	strace $0x8000004A;
	s8 =	sshrl.u32 s1, $0x1;
	s30 =	smul.u32 $0xC400, s6  }
0xd: {  	s2 =	sshrl.u32 s2, $0x3;
	s6 =	smul.u32 $0x62, s6;
	s1 =	ssub.s32 s1, s8  }
0xe: {  	s0 =	sadd.s32 s2, s0;
	s7 =	sshrl.u32 s7, $0x2;
	s31 =	smax.u32 s1, $0x1  }
0xf: {  	s1 =	simm.s32 $0x0;
	s2 =	sadd.s32 s5, s30;
	[dreg:$0x7] =	wrdreg s31  }
0x10: {  	s7 =	sadd.s32 s7, s3;
	s0 =	sadd.s32 $0x1000, s0;
	[dreg:$0x5] =	wrdreg s2  }
0x11: {  	s8 =	sor.u32 $0x1, s6;
	s9 =	sadd.s32 $0x2, s6;
	[dreg:$0x6] =	wrdreg s0  }
0x12: {  	v0 =	vimm.f32 $0.0e+00;
	s6 =	simm.s32 $0x3;
	s2 =	simm.s32 $0x1AF00;
	[dreg:$0x4] =	wrdreg s7  }
.LBB2_1:
0x13: {  	[dreg:$0x8] =	wrdreg s1;
	s0 =	simm.s32 $0x40;
	s1 =	simm.s32 $0x0  }
.LBB2_2:
0x14: {  	p0 =	sne.s32 s0, $0x61C0;
	[tilespmem:s1+$0x1AF00] =	vst v0;
	s1 =	smov.u32 s0;
	s0 =	sadd.s32 $0x40, s0  }
.Ltmp0:
0x15: {  	(pc) =	sbr.rel @p0 .LBB2_2-.Ltmp0, $2  }
0x16: {  	_ =	sdelay $0x2  }
0x17: {  	s1 =	sshra.s32 s1, $0x2  }
0x18: {  	[tilespmem:s1+$0x1AF00] =	vst v0  }
0x19: {  	[spmem:s7] =	stream.linear.scatter [tilespmem:s2], [sflag:$0x3], $0x1880, $0x38;
	[tilespmem:$0x1E000] =	vst v63  }
0x1a: {  	_ =	swait.ge [sflag:s6], $0x1880  }
0x1b: {  	[sflag:s6] =	ssyncset.done $0x0  }
0x1c: {  	[sflag:s6] =	ssyncadd.s32 $0xFFFFE780  }
0x1d: {  	s0 =	rddreg [dreg:$0x0]  }
0x1e: {  	[tilespmem:s28], [sflag:$0x3] =	stream.linear.gather [hbm4b:s0+s28], $0x186A0, $0x38;
	[tilespmem:$0x1E000] =	vst v63  }
0x1f: {  	_ =	swait.ge [sflag:s6], $0x186A0  }
0x20: {  	[sflag:s6] =	ssyncset.done $0x0  }
0x21: {  	[sflag:s6] =	ssyncadd.s32 $0xFFFE7960  }
0x22: {  	[bflag:$0x0] =	sbarrier.arrive $0xFFFF  }
0x23: {  	s31 =	simm.s32 $0x18700;
	s29 =	simm.s32 $0x0;
	s30 =	rddreg [dreg:$0x5]  }
0x24: {  	[tilespmem:s31], [sflag:$0x1] =	stream.linear.gather [hbm4b:s30+s28], $0x1000, $0x38;
	[tilespmem:$0x1E000] =	vst v63  }
.LBB2_4:
0x25: {  	_ =	swait.ge [sflag:s15], $0x1000;
	s0 =	simm.s32 $0x0  }
0x26: {  	s1 =	sand.u32 $0x70, s28;
	[sflag:s15] =	ssyncset.done $0x0;
	s0 =	sand.u32 $0x180, s0  }
0x27: {  	[sflag:s15] =	ssyncadd.s32 $0xFFFFF000;
	s0 =	sor.u32 s1, s0  }
0x28: {  	v1 =	vld [tilespmem:s0+$0x18700];
	_ =	sdelay $0x4  }
0x29: {  	v3 =	vld [tilespmem:s0+$0x19300];
	v2 =	vadd.s32 $0x1, v1  }
0x2a: {  	v4 =	vld [tilespmem:s0+$0x19100]  }
0x2b: {  	v5 =	vld [tilespmem:s0+$0x18D00]  }
0x2c: {  	v6 =	vld [tilespmem:s0+$0x18F00]  }
0x2d: {  	v1 =	vld.idx.msk [tilespmem:v1+s4+$0x0], $0xffff  }
0x2e: {  	v2 =	vld.idx.msk [tilespmem:v2+s4+$0x0], $0xffff;
	_ =	sdelay $0x3  }
0x2f: {  	v5 =	vmul.f32 v5, v1;
	v1 =	vmul.f32 v4, v1  }
0x30: {  	s12 =	simm.s32 $0x10;
	v63 =	vmul.f32 v6, v2;
	v3 =	vmul.f32 v3, v2  }
0x31: {  	s30 =	simm.s32 $0x40;
	s7 =	simm.s32 $0x10;
	s2 =	simm.s32 $0x0  }
0x32: {  	s31 =	sand.u32 $0x70, s12;
	s1 =	simm.s32 $0x80;
	s0 =	simm.s32 $0x20;
	v2 =	vadd.f32 v63, v5;
	v1 =	vadd.f32 v3, v1  }
.LBB2_5:
0x33: {  	s10 =	sand.u32 $0x70, s0;
	s7 =	sand.u32 $0x180, s7  }
0x34: {  	[tilespmem:s2+$0x19700] =	vst v2;
	s11 =	smov.u32 s30;
	s30 =	smov.u32 s1;
	s12 =	sadd.s32 $0x40, s1  }
0x35: {  	p0 =	sne.s32 s1, $0x7C0;
	s1 =	sor.u32 s31, s7;
	[tilespmem:s2+$0x19900] =	vst v1;
	s31 =	smov.u32 s10  }
0x36: {  	v1 =	vld [tilespmem:s1+$0x18700];
	_ =	sdelay $0x4  }
0x37: {  	v2 =	vadd.s32 $0x1, v1  }
0x38: {  	v3 =	vld [tilespmem:s1+$0x19300]  }
0x39: {  	v4 =	vld [tilespmem:s1+$0x19100]  }
0x3a: {  	v5 =	vld [tilespmem:s1+$0x18D00]  }
0x3b: {  	v1 =	vld.idx.msk [tilespmem:v1+s4+$0x0], $0xffff  }
0x3c: {  	v2 =	vld.idx.msk [tilespmem:v2+s4+$0x0], $0xffff  }
0x3d: {  	v6 =	vld [tilespmem:s1+$0x18F00];
	_ =	sdelay $0x3  }
.Ltmp1:
0x3e: {  	v5 =	vmul.f32 v5, v1;
	v1 =	vmul.f32 v4, v1;
	(pc) =	sbr.rel @p0 .LBB2_5-.Ltmp1, $3  }
0x3f: {  	v3 =	vmul.f32 v3, v2;
	v4 =	vmul.f32 v6, v2;
	_ =	sdelay $0x1  }
0x40: {  	s0 =	sadd.s32 $0x10, s0;
	v1 =	vadd.f32 v3, v1;
	v2 =	vadd.f32 v4, v5  }
0x41: {  	s7 =	sshrl.u32 s30, $0x2;
	s2 =	sshra.s32 s11, $0x2;
	s1 =	smov.u32 s12  }
0x42: {  	s0 =	sand.u32 $0x180, s7;
	[tilespmem:s2+$0x19700] =	vst v2  }
0x43: {  	[tilespmem:s2+$0x19900] =	vst v1;
	s0 =	sor.u32 s31, s0  }
0x44: {  	v1 =	vld [tilespmem:s0+$0x18700];
	_ =	sdelay $0x4  }
0x45: {  	v2 =	vadd.s32 $0x1, v1  }
0x46: {  	v3 =	vld [tilespmem:s0+$0x19300]  }
0x47: {  	v4 =	vld [tilespmem:s0+$0x18D00]  }
0x48: {  	v5 =	vld [tilespmem:s0+$0x18F00]  }
0x49: {  	v1 =	vld.idx.msk [tilespmem:v1+s4+$0x0], $0xffff  }
0x4a: {  	v2 =	vld.idx.msk [tilespmem:v2+s4+$0x0], $0xffff  }
0x4b: {  	v6 =	vld [tilespmem:s0+$0x19100];
	_ =	sdelay $0x3  }
0x4c: {  	v4 =	vmul.f32 v4, v1;
	v5 =	vmul.f32 v5, v2  }
0x4d: {  	v1 =	vmul.f32 v6, v1;
	v2 =	vmul.f32 v3, v2  }
0x4e: {  	v3 =	vadd.f32 v5, v4  }
0x4f: {  	s10 =	sshra.s32 s30, $0x2;
	v1 =	vadd.f32 v2, v1  }
0x50: {  	p0 =	seq.s32 s29, $0x0;
	[tilespmem:s10+$0x19700] =	vst v3  }
0x51: {  	s0 =	simm.s32 @!p0 $0x2;
	[tilespmem:s10+$0x19900] =	vst v1  }
0x52: {  	_ =	swait.ge @!p0 [sflag:s0], $0x200  }
0x53: {  	s30 =	sshll.u32 s29, $0x1;
	[sflag:s0] =	ssyncset.done @!p0 $0x0  }
0x54: {  	s1 =	sadd.s32 s30, s8;
	[sflag:s0] =	ssyncadd.s32 @!p0 $0xFFFFFE00  }
0x55: {  	s1 =	sshll.u32 s1, $0x9;
	_ =	swait.ge @!p0 [sflag:s0], $0x200  }
0x56: {  	s12 =	simm.s32 $0x19B00;
	s1 =	sand.u32 $0x1FFFFE00, s1;
	[sflag:s0] =	ssyncset.done @!p0 $0x0  }
0x57: {  	s11 =	sadd.s32 s5, s1;
	s1 =	simm.s32 $0x0;
	[sflag:s0] =	ssyncadd.s32 @!p0 $0xFFFFFE00  }
0x58: {  	[tilespmem:s12], [sflag:$0x1] =	stream.linear.gather [hbm4b:s11+s1], $0x1000, $0x38;
	[tilespmem:$0x1E000] =	vst v63  }
0x59: {  	s2 =	simm.s32 $0x18900;
	s6 =	simm.s32 $0x19700  }
0x5a: {  	[spmem:s3] =	stream.indirect.scatter.add.f32 [tilespmem:s6], [sflag:$0x2], $0x1, s2, s17, $0xb8;
	[tilespmem:$0x1E000] =	vst v63  }
0x5b: {  	s7 =	simm.s32 $0x18B00;
	s10 =	simm.s32 $0x19900  }
0x5c: {  	[spmem:s3] =	stream.indirect.scatter.add.f32 [tilespmem:s10], [sflag:$0x2], $0x1, s7, s17, $0xb8;
	[tilespmem:$0x1E000] =	vst v63  }
0x5d: {  	s11 =	simm.s32 $0x18980;
	s12 =	simm.s32 $0x19780  }
0x5e: {  	[spmem:s3] =	stream.indirect.scatter.add.f32 [tilespmem:s12], [sflag:$0x2], $0x1, s11, s17, $0xb8;
	[tilespmem:$0x1E000] =	vst v63  }
0x5f: {  	s2 =	simm.s32 $0x18B80;
	s6 =	simm.s32 $0x19980  }
0x60: {  	[spmem:s3] =	stream.indirect.scatter.add.f32 [tilespmem:s6], [sflag:$0x2], $0x1, s2, s17, $0xb8;
	[tilespmem:$0x1E000] =	vst v63  }
0x61: {  	s7 =	simm.s32 $0x18A00;
	s10 =	simm.s32 $0x19800  }
0x62: {  	[spmem:s3] =	stream.indirect.scatter.add.f32 [tilespmem:s10], [sflag:$0x2], $0x1, s7, s17, $0xb8;
	[tilespmem:$0x1E000] =	vst v63  }
0x63: {  	s11 =	simm.s32 $0x18C00;
	s12 =	simm.s32 $0x19A00  }
0x64: {  	[spmem:s3] =	stream.indirect.scatter.add.f32 [tilespmem:s12], [sflag:$0x2], $0x1, s11, s17, $0xb8;
	[tilespmem:$0x1E000] =	vst v63  }
0x65: {  	s2 =	simm.s32 $0x18A80;
	s6 =	simm.s32 $0x19880  }
0x66: {  	[spmem:s3] =	stream.indirect.scatter.add.f32 [tilespmem:s6], [sflag:$0x2], $0x1, s2, s17, $0xb8;
	[tilespmem:$0x1E000] =	vst v63  }
0x67: {  	s7 =	simm.s32 $0x18C80;
	s10 =	simm.s32 $0x19A80  }
0x68: {  	[spmem:s3] =	stream.indirect.scatter.add.f32 [tilespmem:s10], [sflag:$0x2], $0x1, s7, s17, $0xb8;
	[tilespmem:$0x1E000] =	vst v63  }
0x69: {  	s11 =	simm.s32 $0x0;
	_ =	swait.ge [sflag:s15], $0x1000  }
0x6a: {  	s1 =	sand.u32 $0x70, s1;
	s0 =	sand.u32 $0x180, s11;
	[sflag:s15] =	ssyncset.done $0x0  }
0x6b: {  	s0 =	sor.u32 s1, s0;
	[sflag:s15] =	ssyncadd.s32 $0xFFFFF000  }
0x6c: {  	v1 =	vld [tilespmem:s0+$0x19B00];
	_ =	sdelay $0x4  }
0x6d: {  	v3 =	vld [tilespmem:s0+$0x1A700];
	v2 =	vadd.s32 $0x1, v1  }
0x6e: {  	v60 =	vld [tilespmem:s0+$0x1A500]  }
0x6f: {  	v61 =	vld [tilespmem:s0+$0x1A100]  }
0x70: {  	v62 =	vld [tilespmem:s0+$0x1A300]  }
0x71: {  	v1 =	vld.idx.msk [tilespmem:v1+s4+$0x0], $0xffff  }
0x72: {  	v2 =	vld.idx.msk [tilespmem:v2+s4+$0x0], $0xffff;
	_ =	sdelay $0x3  }
0x73: {  	v5 =	vmul.f32 v61, v1;
	v1 =	vmul.f32 v60, v1  }
0x74: {  	s31 =	simm.s32 $0x40;
	v63 =	vmul.f32 v62, v2;
	v3 =	vmul.f32 v3, v2  }
0x75: {  	s12 =	simm.s32 $0x10;
	s2 =	simm.s32 $0x20;
	s1 =	simm.s32 $0x0  }
0x76: {  	s7 =	simm.s32 $0x80;
	s10 =	simm.s32 $0x10;
	s0 =	sand.u32 $0x70, s12;
	v2 =	vadd.f32 v63, v5;
	v1 =	vadd.f32 v3, v1  }
.LBB2_7:
0x77: {  	s11 =	sand.u32 $0x70, s2;
	s10 =	sand.u32 $0x180, s10  }
0x78: {  	[tilespmem:s1+$0x1AB00] =	vst v2;
	s12 =	smov.u32 s31;
	s31 =	smov.u32 s7;
	s6 =	sadd.s32 $0x40, s7  }
0x79: {  	p0 =	sne.s32 s7, $0x7C0;
	s7 =	sor.u32 s0, s10;
	[tilespmem:s1+$0x1AD00] =	vst v1;
	s0 =	smov.u32 s11  }
0x7a: {  	v1 =	vld [tilespmem:s7+$0x19B00];
	_ =	sdelay $0x4  }
0x7b: {  	v2 =	vadd.s32 $0x1, v1  }
0x7c: {  	v3 =	vld [tilespmem:s7+$0x1A700]  }
0x7d: {  	v4 =	vld [tilespmem:s7+$0x1A500]  }
0x7e: {  	v5 =	vld [tilespmem:s7+$0x1A100]  }
0x7f: {  	v1 =	vld.idx.msk [tilespmem:v1+s4+$0x0], $0xffff  }
0x80: {  	v2 =	vld.idx.msk [tilespmem:v2+s4+$0x0], $0xffff  }
0x81: {  	v6 =	vld [tilespmem:s7+$0x1A300];
	_ =	sdelay $0x3  }
.Ltmp2:
0x82: {  	v5 =	vmul.f32 v5, v1;
	v1 =	vmul.f32 v4, v1;
	(pc) =	sbr.rel @p0 .LBB2_7-.Ltmp2, $3  }
0x83: {  	v3 =	vmul.f32 v3, v2;
	v4 =	vmul.f32 v6, v2;
	_ =	sdelay $0x1  }
0x84: {  	s2 =	sadd.s32 $0x10, s2;
	v1 =	vadd.f32 v3, v1;
	v2 =	vadd.f32 v4, v5  }
0x85: {  	s10 =	sshrl.u32 s31, $0x2;
	s1 =	sshra.s32 s12, $0x2;
	s7 =	smov.u32 s6  }
0x86: {  	s2 =	sand.u32 $0x180, s10;
	[tilespmem:s1+$0x1AB00] =	vst v2  }
0x87: {  	[tilespmem:s1+$0x1AD00] =	vst v1;
	s0 =	sor.u32 s0, s2  }
0x88: {  	v1 =	vld [tilespmem:s0+$0x19B00];
	_ =	sdelay $0x4  }
0x89: {  	v2 =	vadd.s32 $0x1, v1  }
0x8a: {  	v3 =	vld [tilespmem:s0+$0x1A700]  }
0x8b: {  	v4 =	vld [tilespmem:s0+$0x1A100]  }
0x8c: {  	v5 =	vld [tilespmem:s0+$0x1A300]  }
0x8d: {  	v1 =	vld.idx.msk [tilespmem:v1+s4+$0x0], $0xffff  }
0x8e: {  	v2 =	vld.idx.msk [tilespmem:v2+s4+$0x0], $0xffff  }
0x8f: {  	v6 =	vld [tilespmem:s0+$0x1A500];
	_ =	sdelay $0x3  }
0x90: {  	v4 =	vmul.f32 v4, v1;
	v5 =	vmul.f32 v5, v2  }
0x91: {  	v1 =	vmul.f32 v6, v1;
	v2 =	vmul.f32 v3, v2  }
0x92: {  	v3 =	vadd.f32 v5, v4  }
0x93: {  	s7 =	sshra.s32 s31, $0x2;
	v1 =	vadd.f32 v2, v1  }
0x94: {  	[tilespmem:s7+$0x1AB00] =	vst v3  }
0x95: {  	[tilespmem:s7+$0x1AD00] =	vst v1  }
0x96: {  	_ =	swait.ge [sflag:s14], $0x200  }
0x97: {  	p0 =	seq.s32 s29, $0x30;
	[sflag:s14] =	ssyncset.done $0x0  }
0x98: {  	s0 =	sadd.s32 @!p0 s30, s9;
	[sflag:s14] =	ssyncadd.s32 $0xFFFFFE00  }
0x99: {  	s0 =	sshll.u32 @!p0 s0, $0x9;
	_ =	swait.ge [sflag:s14], $0x200  }
0x9a: {  	s1 =	simm.s32 @!p0 $0x0;
	s0 =	sand.u32 @!p0 $0x1FFFFC00, s0;
	[sflag:s14] =	ssyncset.done $0x0  }
0x9b: {  	s2 =	simm.s32 @!p0 $0x18700;
	s0 =	sadd.s32 @!p0 s5, s0;
	[sflag:s14] =	ssyncadd.s32 $0xFFFFFE00  }
0x9c: {  	[tilespmem:s2], [sflag:$0x1] =	stream.linear.gather @!p0 [hbm4b:s0+s1], $0x1000, $0x38;
	[tilespmem:$0x1E000] =	vst v63  }
0x9d: {  	s10 =	simm.s32 $0x19D00;
	s11 =	simm.s32 $0x1AB00  }
0x9e: {  	[spmem:s3] =	stream.indirect.scatter.add.f32 [tilespmem:s11], [sflag:$0x2], $0x1, s10, s17, $0xb8;
	[tilespmem:$0x1E000] =	vst v63  }
0x9f: {  	s12 =	simm.s32 $0x19F00;
	s30 =	simm.s32 $0x1AD00  }
0xa0: {  	[spmem:s3] =	stream.indirect.scatter.add.f32 [tilespmem:s30], [sflag:$0x2], $0x1, s12, s17, $0xb8;
	[tilespmem:$0x1E000] =	vst v63  }
0xa1: {  	s31 =	simm.s32 $0x19D80  }
0xa2: {  	[spmem:s3] =	stream.indirect.scatter.add.f32 [tilespmem:s13], [sflag:$0x2], $0x1, s31, s17, $0xb8;
	[tilespmem:$0x1E000] =	vst v63  }
0xa3: {  	_ = 	snop  }
0xa4: {  	[spmem:s3] =	stream.indirect.scatter.add.f32 [tilespmem:s18], [sflag:$0x2], $0x1, s16, s17, $0xb8;
	[tilespmem:$0x1E000] =	vst v63  }
0xa5: {  	s29 =	sadd.s32 $0x1, s29  }
0xa6: {  	[spmem:s3] =	stream.indirect.scatter.add.f32 [tilespmem:s20], [sflag:$0x2], $0x1, s19, s17, $0xb8;
	[tilespmem:$0x1E000] =	vst v63  }
0xa7: {  	p0 =	sne.s32 s29, $0x31  }
0xa8: {  	[spmem:s3] =	stream.indirect.scatter.add.f32 [tilespmem:s22], [sflag:$0x2], $0x1, s21, s17, $0xb8;
	[tilespmem:$0x1E000] =	vst v63  }
.Ltmp3:
0xa9: {  	_ = 	snop;
	(pc) =	sbr.rel @p0 .LBB2_4-.Ltmp3, $4  }
0xaa: {  	_ = 	snop  }
0xab: {  	[spmem:s3] =	stream.indirect.scatter.add.f32 [tilespmem:s24], [sflag:$0x2], $0x1, s23, s17, $0xb8;
	[tilespmem:$0x1E000] =	vst v63  }
0xac: {  	_ = 	snop  }
0xad: {  	[spmem:s3] =	stream.indirect.scatter.add.f32 [tilespmem:s26], [sflag:$0x2], $0x1, s25, s17, $0xb8;
	[tilespmem:$0x1E000] =	vst v63  }
0xae: {  	_ =	swait.ge [sflag:s14], $0x200  }
0xaf: {  	[sflag:s14] =	ssyncset.done $0x0  }
0xb0: {  	[sflag:s14] =	ssyncadd.s32 $0xFFFFFE00  }
0xb1: {  	_ =	swait.ge [sflag:s14], $0x200  }
0xb2: {  	[sflag:s14] =	ssyncset.done $0x0  }
0xb3: {  	[sflag:s14] =	ssyncadd.s32 $0xFFFFFE00  }
0xb4: {  	[bflag:$0x0] =	sbarrier.arrive $0xFFFF  }
0xb5: {  	s2 =	simm.s32 $0x1AF00;
	s6 =	simm.s32 $0x3;
	s7 =	rddreg [dreg:$0x4]  }
0xb6: {  	[tilespmem:s2], [sflag:$0x3] =	stream.linear.gather [spmem:s7], $0x1880, $0x38;
	[tilespmem:$0x1E000] =	vst v63  }
0xb7: {  	_ =	swait.ge [sflag:s6], $0x1880  }
0xb8: {  	[sflag:s6] =	ssyncset.done $0x0  }
0xb9: {  	s1 =	simm.s32 $0x100;
	s0 =	rddreg [dreg:$0x6];
	[sflag:s6] =	ssyncadd.s32 $0xFFFFE780  }
0xba: {  	[hbm4b:s0+s17] =	stream.strided.scatter [tilespmem:s2], [sflag:$0x3], $0x1880, s1, s17, $0x38;
	[tilespmem:$0x1E000] =	vst v63  }
0xbb: {  	_ =	swait.ge [sflag:s6], $0x1880  }
0xbc: {  	s30 =	rddreg [dreg:$0x8]  }
0xbd: {  	s31 =	rddreg [dreg:$0x7];
	s1 =	sadd.s32 $0x1, s30  }
0xbe: {  	p0 =	sne.s32 s1, s31  }
.Ltmp4:
0xbf: {  	_ = 	snop;
	(pc) =	sbr.rel @p0 .LBB2_1-.Ltmp4, $3  }
0xc0: {  	_ =	sdelay $0x1  }
0xc1: {  	[sflag:s6] =	ssyncset.done $0x0  }
0xc2: {  	[sflag:s6] =	ssyncadd.s32 $0xFFFFE780  }
0xc3: {  	_ =	sfence.sel $0x180000  }
0xc4: {  	[bflag:$0x0] =	sbarrier.arrive $0xFFFF  }
0xc5: {  	_ =	strace $0x9000004A  }
0xc6: {  	s0 =	stileid.u32;
	[bflag:$0x2] =	sbarrier.arrive $0xFFFF  }
0xc7: {  	p0 =	sne.s32 s0, $0x0;
	s0 =	rddreg [dreg:$0x3]  }
0xc8: {  	s0 =	sadd.s32 @!p0 $0x100000, s0  }
0xc9: {  	[sflag:s0] =	ssyncadd.tile.s32 @!p0 $0x1;
	_ =	shalt  }
.Lfunc_end2:
_tile_overlayer_lowered:
.L_overlay_start_2:
0xca: {  	(tag) =	ssettag $0x2  }
0xcb: {  	s0 =	rddreg [dreg:$0x0];
	s2 =	stileid.u32  }
0xcc: {  	s1 =	rddreg [dreg:$0x1];
	p0 =	sne.s32 s2, $0x0  }
0xcd: {  	s3 =	rddreg [dreg:$0x2];
	[bflag:$0x3] =	sbarrier.arrive $0xFFFF;
	s2 =	simm.s32 @!p0 $0x1C03  }
0xce: {  	[timem:s3], [sflag:s2] =	dma.local @!p0 [hbm:s0], s1  }
0xcf: {  	s0 =	simm.s32 @!p0 $0x3  }
0xd0: {  	_ =	swait.ge @!p0 [sflag:s0], s1  }
0xd1: {  	s1 =	ssub.s32 @!p0 $0x0, s1;
	[sflag:s0] =	ssyncset.done @!p0 $0x0  }
0xd2: {  	[sflag:s0] =	ssyncadd.s32 @!p0 s1  }
0xd3: {  	[bflag:$0x3] =	sbarrier.arrive $0xFFFF  }
0xd4: {  	_ =	shalt  }

// kernel: kernel.4.cloned.1.call-start
scs
__scs_entry_jumppad:
0x0: {  	(pc) =	sbr.rel $0x88, $3  }
0x1: {  	(tag) =	ssettag $0x0;
	lr =	simm.s32 $0x1  }
0x2: {  	[smem:$0x3F9C] =	sst lr;
	_ =	strace $0xD0000000  }
0x3: {  	_ = 	snop  }
0x4: {  	_ = 	snop  }
0x5: {  	_ = 	snop  }
0x6: {  	_ = 	snop  }
0x7: {  	_ = 	snop  }
__scs_overlays_trampoline_lowered:
0x8: {  	[smem:$0x3FAB] =	sst s0  }
0x9: {  	[smem:$0x3FAC] =	sst s1  }
0xa: {  	[smem:$0x3FAD] =	sst s2  }
0xb: {  	[smem:$0x3FAE] =	sst s3  }
0xc: {  	[smem:$0x3FAF] =	sst s4  }
0xd: {  	[smem:$0x3FB0] =	sst s5  }
0xe: {  	[smem:$0x3FB1] =	sst s6  }
0xf: {  	[smem:$0x3FB2] =	sst s7  }
0x10: {  	[smem:$0x3FB3] =	sst s8  }
0x11: {  	[smem:$0x3FB4] =	sst s9;
	s0 =	simm.s32 @!p0 $0x0  }
0x12: {  	s1 =	sld [smem:$0x3F9A];
	s0 =	simm.s32 @p0 $0x1  }
0x13: {  	[smem:$0x3FB5] =	sst s0;
	s0 =	simm.s32 @!p1 $0x0  }
0x14: {  	s2 =	sld [smem:$0x3F99];
	s0 =	simm.s32 @p1 $0x1  }
0x15: {  	[smem:$0x3FB6] =	sst s0;
	s0 =	simm.s32 @!p2 $0x0  }
0x16: {  	s3 =	sld [smem:$0x3FDB];
	s0 =	simm.s32 @p2 $0x1  }
0x17: {  	s4 =	simm.s32 $0x1BF5;
	[smem:$0x3FB8] =	sst s0  }
0x18: {  	s0 =	sld [smem:$0x3F9B];
	_ =	swait.ge [sflag:s4], $0x0  }
0x19: {  	s7 =	sld [smem:$0x3F9C]  }
0x1a: {  	s8 =	sadd.s32 $0xFFFFE003, lr  }
0x1b: {  	s9 =	sadd.s32 $0xFFFFFEF7, lr;
	s5 =	simm.s32 $0xFFFFFFFF;
	p2 =	slt.u32 s8, $0xFFFFF086  }
0x1c: {  	p1 =	slt.u32 s9, $0xF7A;
	s5 =	simm.s32 @!p2 $0x0  }
0x1d: {  	s5 =	simm.s32 @p1 $0x1;
	p0 =	seq.s32 s7, s2  }
0x1e: {  	s7 =	smul.u32 @!p0 $0xF7A, s2;
	p2 =	seq.s32 @!p0 s5, $0x0  }
0x1f: {  	s9 =	smul.u32 $0xF7A, s1;
	s8 =	simm.s32 @!p0 $0x1BF5;
	p2 =	por !p2, p0  }
0x20: {  	[sflag:s8] =	ssyncset.s32 @!p0 $0xFFFFF086;
	s6 =	sadd.s32 @!p0 s3, s7;
	s7 =	simm.s32 @!p0 $0x108  }
0x21: {  	s3 =	sadd.s32 s3, s9;
	s6 =	sadd.s32 @!p0 $0x88, s6;
	s7 =	simm.s32 @p2 $0x1082  }
0x22: {  	[simem:s7], [sflag:s8] =	dma.local @!p0 [hbm:s6], $0xF7A  }
0x23: {  	s9 =	sor.u32 $0xD0000000, s2;
	s6 =	simm.s32 $0x108;
	_ =	swait.ge @!p0 [sflag:s8], $0x0  }
0x24: {  	s3 =	sadd.s32 $0x88, s3;
	s6 =	simm.s32 @!p1 $0x1082;
	[sflag:s4] =	ssyncset.s32 $0xFFFFF086  }
0x25: {  	[simem:s6], [sflag:s4] =	dma.local [hbm:s3], $0xF7A  }
0x26: {  	[smem:$0x3F9C] =	sst s1;
	(tag) =	ssettag s2;
	_ =	strace s9  }
0x27: {  	s1 =	sld [smem:$0x3FAC]  }
0x28: {  	s2 =	sld [smem:$0x3FAD]  }
0x29: {  	s4 =	sld [smem:$0x3FAF]  }
0x2a: {  	p0 =	seq.s32 s5, $0x0;
	s5 =	sld [smem:$0x3FB0]  }
0x2b: {  	s6 =	sld [smem:$0x3FB1]  }
0x2c: {  	s7 =	sld [smem:$0x3FB2]  }
0x2d: {  	s3 =	simm.s32 $0x108;
	s8 =	sld [smem:$0x3FB3]  }
0x2e: {  	s3 =	simm.s32 @!p0 $0x1082;
	s9 =	sld [smem:$0x3FB4]  }
0x2f: {  	lr =	sadd.s32 s0, s3;
	s0 =	sld [smem:$0x3FAB]  }
0x30: {  	s3 =	sld [smem:$0x3FAE]  }
0x31: {  	[smem:$0x3FB7] =	sst s10  }
0x32: {  	s10 =	sld [smem:$0x3FB5];
	_ =	sdelay $0x3  }
0x33: {  	p0 =	seq.s32 s10, $0x1;
	s10 =	sld [smem:$0x3FB7];
	_ =	sdelay $0x3  }
0x34: {  	[smem:$0x3FB7] =	sst s10  }
0x35: {  	s10 =	sld [smem:$0x3FB6];
	_ =	sdelay $0x3  }
0x36: {  	p1 =	seq.s32 s10, $0x1;
	s10 =	sld [smem:$0x3FB7];
	_ =	sdelay $0x3  }
0x37: {  	[smem:$0x3FB7] =	sst s10  }
0x38: {  	s10 =	sld [smem:$0x3FB8]  }
0x39: {  	_ = 	snop;
	(pc) =	sbr.ind lr, $3  }
0x3a: {  	_ = 	snop  }
0x3b: {  	_ = 	snop  }
0x3c: {  	p2 =	seq.s32 s10, $0x1;
	s10 =	sld [smem:$0x3FB7]  }
0x3d: {  	_ =	shalt  }
0x3e: {  	_ =	shalt  }
0x3f: {  	_ =	shalt  }
0x40: {  	_ =	shalt  }
0x41: {  	_ =	shalt  }
0x42: {  	_ =	shalt  }
0x43: {  	_ =	shalt  }
0x44: {  	_ =	shalt  }
0x45: {  	_ =	shalt  }
0x46: {  	_ =	shalt  }
0x47: {  	_ =	shalt  }
0x48: {  	_ =	shalt  }
0x49: {  	_ =	shalt  }
0x4a: {  	_ =	shalt  }
0x4b: {  	_ =	shalt  }
0x4c: {  	_ =	shalt  }
0x4d: {  	_ =	shalt  }
0x4e: {  	_ =	shalt  }
0x4f: {  	_ =	shalt  }
0x50: {  	_ =	shalt  }
0x51: {  	_ =	shalt  }
0x52: {  	_ =	shalt  }
0x53: {  	_ =	shalt  }
0x54: {  	_ =	shalt  }
0x55: {  	_ =	shalt  }
0x56: {  	_ =	shalt  }
0x57: {  	_ =	shalt  }
0x58: {  	_ =	shalt  }
0x59: {  	_ =	shalt  }
0x5a: {  	_ =	shalt  }
0x5b: {  	_ =	shalt  }
0x5c: {  	_ =	shalt  }
0x5d: {  	_ =	shalt  }
0x5e: {  	_ =	shalt  }
0x5f: {  	_ =	shalt  }
0x60: {  	_ =	shalt  }
0x61: {  	_ =	shalt  }
0x62: {  	_ =	shalt  }
0x63: {  	_ =	shalt  }
0x64: {  	_ =	shalt  }
0x65: {  	_ =	shalt  }
0x66: {  	_ =	shalt  }
0x67: {  	_ =	shalt  }
0x68: {  	_ =	shalt  }
0x69: {  	_ =	shalt  }
0x6a: {  	_ =	shalt  }
0x6b: {  	_ =	shalt  }
0x6c: {  	_ =	shalt  }
0x6d: {  	_ =	shalt  }
0x6e: {  	_ =	shalt  }
0x6f: {  	_ =	shalt  }
0x70: {  	_ =	shalt  }
0x71: {  	_ =	shalt  }
0x72: {  	_ =	shalt  }
0x73: {  	_ =	shalt  }
0x74: {  	_ =	shalt  }
0x75: {  	_ =	shalt  }
0x76: {  	_ =	shalt  }
0x77: {  	_ =	shalt  }
0x78: {  	_ =	shalt  }
0x79: {  	_ =	shalt  }
0x7a: {  	_ =	shalt  }
0x7b: {  	_ =	shalt  }
0x7c: {  	_ =	shalt  }
0x7d: {  	_ =	shalt  }
0x7e: {  	_ =	shalt  }
0x7f: {  	_ =	shalt  }
0x80: {  	_ =	shalt  }
0x81: {  	_ =	shalt  }
0x82: {  	_ =	shalt  }
0x83: {  	_ =	shalt  }
0x84: {  	_ =	shalt  }
0x85: {  	_ =	shalt  }
0x86: {  	_ =	shalt  }
0x87: {  	_ =	shalt  }
.Lfunc_end0:
.L_simem_size_0:
called_computation.1_lowered:
.L_overlay_start_0:
0x88: {  	s2 =	sld [smem:$0x3FD9]  }
0x89: {  	s3 =	sld [smem:$0x3FFE];
	_ =	sdelay $0x1  }
0x8a: {  	s1 =	srdreg.scid  }
0x8b: {  	s0 =	sand.u32 $0x1, s1  }
0x8c: {  	s17 =	sshll.u32 s0, $0xA;
	s2 =	sadd.s32 s3, s2  }
0x8d: {  	s2 =	sadd.s32 s2, s17  }
0x8e: {  	[smem:$0x3FC3] =	sst s2  }
0x8f: {  	_ = 	snop  }
0x90: {  	s2 =	sld [smem:$0x3FD0];
	(tm) =	ssettm $0x1  }
0x91: {  	s18 =	sld [smem:$0x3FFB];
	_ =	sdelay $0x3  }
0x92: {  	_ =	strace s18  }
0x93: {  	s3 =	sld [smem:$0x3FFC];
	_ =	sdelay $0x3  }
0x94: {  	_ =	strace s3  }
0x95: {  	s3 =	sld [smem:$0x3FFD];
	_ =	sdelay $0x3  }
0x96: {  	_ =	strace s3  }
0x97: {  	_ =	strace $0x8FFFFFFF  }
0x98: {  	s19 =	sld [smem:$0x3FDB];
	_ =	sdelay $0x1  }
0x99: {  	s4 =	simm.s32 $_scs_section_size  }
0x9a: {  	s5 =	simm.s32 $_size__tile_overlayer_lowered;
	s6 =	simm.s32 $_tile_overlayer_lowered  }
0x9b: {  	s22 =	simm.s32 $0x1BFF;
	s21 =	sshll.u32 s6, $0x1;
	s3 =	sadd.s32 s4, s19  }
0x9c: {  	s7 =	simm.s32 $0x0;
	s20 =	sshll.u32 s5, $0x1;
	s5 =	sadd.s32 s21, s3  }
0x9d: {  	[timem:s7], [sflag:s22] =	dma.local [hbm:s5], s20  }
0x9e: {  	_ =	swait.ge [sflag:s22], s20  }
0x9f: {  	s4 =	ssub.s32 $0x0, s20;
	[sflag:s22] =	ssyncset.done $0x0  }
0xa0: {  	[sflag:s22] =	ssyncadd.s32 s4;
	_ =	sdelay $0x1  }
0xa1: {  	s23 =	simm.s32 $0x1B8B  }
0xa2: {  	_ =	swait.ge [sflag:s23], $0x1  }
0xa3: {  	[sflag:s23] =	ssyncset.done $0x0  }
0xa4: {  	s25 =	simm.s32 $0x1B8E;
	s24 =	sld [smem:$0x3FFE];
	[sflag:s23] =	ssyncadd.s32 $0xFFFFFFFF  }
0xa5: {  	s26 =	simm.s32 $execute0_lowered;
	[smem:$0x3FD2] =	sst s25  }
0xa6: {  	s5 =	sshll.u32 s26, $0x1;
	_ =	strace $0x80000046;
	[dreg:$0x1] =	wrdreg $0xFFFFFFFF  }
0xa7: {  	s28 =	simm.s32 $_size_execute0_lowered;
	s3 =	sadd.s32 s3, s5;
	[dreg:$0x0] =	wrdreg $0x0  }
0xa8: {  	s5 =	sshll.u32 s28, $0x1;
	[dreg:$0x2] =	wrdreg s3  }
0xa9: {  	[dreg:$0x3] =	wrdreg s5  }
0xaa: {  	[dreg:$0x4] =	wrdreg $0xC0  }
0xab: {  	_ =	task [dreg:s7], $0x5FFFF  }
0xac: {  	[dreg:$0x1] =	wrdreg $0xFFFFFFFF  }
0xad: {  	[dreg:$0x0] =	wrdreg $0x60  }
0xae: {  	[dreg:$0x2] =	wrdreg s2  }
0xaf: {  	[dreg:$0x3] =	wrdreg s24  }
0xb0: {  	[dreg:$0x4] =	wrdreg $0x1C7800  }
0xb1: {  	[dreg:$0x5] =	wrdreg $0x9  }
0xb2: {  	_ =	task.clear_ibuf [dreg:s7], $0x6FFFF;
	_ =	strace $0x90000046  }
0xb3: {  	s29 =	simm.s32 $0x9;
	_ =	strace $0x80000048  }
0xb4: {  	_ =	swait.ge [sflag:s29], $0x1  }
0xb5: {  	[sflag:s29] =	ssyncadd.s32 $0xFFFFFFFF  }
0xb6: {  	_ =	strace $0x90000048  }
0xb7: {  	_ =	sfence  }
0xb8: {  	s30 =	sld [smem:$0x0];
	_ =	sdelay $0x2  }
0xb9: {  	s31 =	sshll.u32 s1, $0xD;
	s1 =	sshrl.u32 s1, $0x2  }
0xba: {  	s3 =	sand.u32 $0x4000, s31;
	s1 =	sadd.s32 s1, s30  }
0xbb: {  	s0 =	sor.u32 s3, s0;
	s1 =	sshll.u32 s1, $0x11  }
0xbc: {  	s0 =	sor.u32 s1, s0  }
0xbd: {  	s0 =	sadd.s32 $0x8F2B, s0  }
0xbe: {  	[sflag:s0] =	ssyncadd.remote.s32 $0x1  }
0xbf: {  	_ =	sfence.sel $0xFFFF  }
0xc0: {  	[dreg:$0x0] =	wrdreg $0xFFFFFFFF;
	(pc) =	sbr.abs _section_cstart, $3  }
0xc1: {  	[dreg:$0x1] =	wrdreg $0xFFFFFFFF  }
0xc2: {  	_ =	task.clear_ibuf [dreg:s7], $0x2FFFF;
	_ =	strace $0x9FFFFFFF  }
0xc3: {  	(tm) =	ssettm $0x7FFFFFFF  }
tec
execute0_lowered:
.L_overlay_start_1:
0x0: {  	(tag) =	ssettag $0x1  }
0x1: {  	s0 =	rddreg [dreg:$0x1]  }
0x2: {  	s3 =	rddreg [dreg:$0x2];
	s4 =	simm.s32 $0x0  }
0x3: {  	s1 =	srdreg.scid;
	s7 =	stileid.u32;
	s15 =	simm.s32 $0x1  }
0x4: {  	s17 =	simm.s32 $0x80;
	s14 =	simm.s32 $0x2;
	s13 =	simm.s32 $0x1AB80  }
0x5: {  	s16 =	simm.s32 $0x19F80;
	s18 =	simm.s32 $0x1AD80;
	s19 =	simm.s32 $0x19E00  }
0x6: {  	s20 =	simm.s32 $0x1AC00;
	s21 =	simm.s32 $0x1A000;
	s22 =	simm.s32 $0x1AE00  }
0x7: {  	s23 =	simm.s32 $0x19E80;
	s24 =	simm.s32 $0x1AC80;
	s25 =	simm.s32 $0x1A080  }
0x8: {  	s26 =	simm.s32 $0x1AE80;
	s28 =	simm.s32 $0x0;
	[smem:$0x7FF] =	sst s4  }
0x9: {  	s1 =	sand.u32 $0x1, s1;
	s2 =	smul.u32 $0x3100, s7;
	s5 =	sadd.s32 $0x21C000, s0  }
0xa: {  	s6 =	sshll.u32 s1, $0x7;
	s29 =	sshll.u32 s1, $0x4;
	s1 =	ssub.s32 $0x2, s1  }
0xb: {  	s2 =	sor.u32 s6, s2;
	s6 =	sor.u32 s7, s29;
	s7 =	smul.u32 $0x6200, s7  }
0xc: {  	_ =	strace $0x80000047;
	s8 =	sshrl.u32 s1, $0x1;
	s30 =	smul.u32 $0xC400, s6  }
0xd: {  	s2 =	sshrl.u32 s2, $0x3;
	s6 =	smul.u32 $0x62, s6;
	s1 =	ssub.s32 s1, s8  }
0xe: {  	s0 =	sadd.s32 s2, s0;
	s7 =	sshrl.u32 s7, $0x2;
	s31 =	smax.u32 s1, $0x1  }
0xf: {  	s1 =	simm.s32 $0x0;
	s2 =	sadd.s32 s5, s30;
	[dreg:$0x7] =	wrdreg s31  }
0x10: {  	s7 =	sadd.s32 s7, s3;
	s0 =	sadd.s32 $0x1000, s0;
	[dreg:$0x5] =	wrdreg s2  }
0x11: {  	s8 =	sor.u32 $0x1, s6;
	s9 =	sadd.s32 $0x2, s6;
	[dreg:$0x6] =	wrdreg s0  }
0x12: {  	v0 =	vimm.f32 $0.0e+00;
	s6 =	simm.s32 $0x3;
	s2 =	simm.s32 $0x1AF00;
	[dreg:$0x4] =	wrdreg s7  }
.LBB2_1:
0x13: {  	[dreg:$0x8] =	wrdreg s1;
	s0 =	simm.s32 $0x40;
	s1 =	simm.s32 $0x0  }
.LBB2_2:
0x14: {  	p0 =	sne.s32 s0, $0x61C0;
	[tilespmem:s1+$0x1AF00] =	vst v0;
	s1 =	smov.u32 s0;
	s0 =	sadd.s32 $0x40, s0  }
.Ltmp0:
0x15: {  	(pc) =	sbr.rel @p0 .LBB2_2-.Ltmp0, $2  }
0x16: {  	_ =	sdelay $0x2  }
0x17: {  	s1 =	sshra.s32 s1, $0x2  }
0x18: {  	[tilespmem:s1+$0x1AF00] =	vst v0  }
0x19: {  	[spmem:s7] =	stream.linear.scatter [tilespmem:s2], [sflag:$0x3], $0x1880, $0x38;
	[tilespmem:$0x1E000] =	vst v63  }
0x1a: {  	_ =	swait.ge [sflag:s6], $0x1880  }
0x1b: {  	[sflag:s6] =	ssyncset.done $0x0  }
0x1c: {  	[sflag:s6] =	ssyncadd.s32 $0xFFFFE780  }
0x1d: {  	s0 =	rddreg [dreg:$0x0]  }
0x1e: {  	[tilespmem:s28], [sflag:$0x3] =	stream.linear.gather [hbm4b:s0+s28], $0x186A0, $0x38;
	[tilespmem:$0x1E000] =	vst v63  }
0x1f: {  	_ =	swait.ge [sflag:s6], $0x186A0  }
0x20: {  	[sflag:s6] =	ssyncset.done $0x0  }
0x21: {  	[sflag:s6] =	ssyncadd.s32 $0xFFFE7960  }
0x22: {  	[bflag:$0x0] =	sbarrier.arrive $0xFFFF  }
0x23: {  	s31 =	simm.s32 $0x18700;
	s29 =	simm.s32 $0x0;
	s30 =	rddreg [dreg:$0x5]  }
0x24: {  	[tilespmem:s31], [sflag:$0x1] =	stream.linear.gather [hbm4b:s30+s28], $0x1000, $0x38;
	[tilespmem:$0x1E000] =	vst v63  }
.LBB2_4:
0x25: {  	_ =	swait.ge [sflag:s15], $0x1000;
	s0 =	simm.s32 $0x0  }
0x26: {  	s1 =	sand.u32 $0x70, s28;
	[sflag:s15] =	ssyncset.done $0x0;
	s0 =	sand.u32 $0x180, s0  }
0x27: {  	[sflag:s15] =	ssyncadd.s32 $0xFFFFF000;
	s0 =	sor.u32 s1, s0  }
0x28: {  	v1 =	vld [tilespmem:s0+$0x18700];
	_ =	sdelay $0x4  }
0x29: {  	v3 =	vld [tilespmem:s0+$0x19300];
	v2 =	vadd.s32 $0x1, v1  }
0x2a: {  	v4 =	vld [tilespmem:s0+$0x19100]  }
0x2b: {  	v5 =	vld [tilespmem:s0+$0x18D00]  }
0x2c: {  	v6 =	vld [tilespmem:s0+$0x18F00]  }
0x2d: {  	v1 =	vld.idx.msk [tilespmem:v1+s4+$0x0], $0xffff  }
0x2e: {  	v2 =	vld.idx.msk [tilespmem:v2+s4+$0x0], $0xffff;
	_ =	sdelay $0x3  }
0x2f: {  	v5 =	vmul.f32 v5, v1;
	v1 =	vmul.f32 v4, v1  }
0x30: {  	s12 =	simm.s32 $0x10;
	v63 =	vmul.f32 v6, v2;
	v3 =	vmul.f32 v3, v2  }
0x31: {  	s30 =	simm.s32 $0x40;
	s7 =	simm.s32 $0x10;
	s2 =	simm.s32 $0x0  }
0x32: {  	s31 =	sand.u32 $0x70, s12;
	s1 =	simm.s32 $0x80;
	s0 =	simm.s32 $0x20;
	v2 =	vadd.f32 v63, v5;
	v1 =	vadd.f32 v3, v1  }
.LBB2_5:
0x33: {  	s10 =	sand.u32 $0x70, s0;
	s7 =	sand.u32 $0x180, s7  }
0x34: {  	[tilespmem:s2+$0x19700] =	vst v2;
	s11 =	smov.u32 s30;
	s30 =	smov.u32 s1;
	s12 =	sadd.s32 $0x40, s1  }
0x35: {  	p0 =	sne.s32 s1, $0x7C0;
	s1 =	sor.u32 s31, s7;
	[tilespmem:s2+$0x19900] =	vst v1;
	s31 =	smov.u32 s10  }
0x36: {  	v1 =	vld [tilespmem:s1+$0x18700];
	_ =	sdelay $0x4  }
0x37: {  	v2 =	vadd.s32 $0x1, v1  }
0x38: {  	v3 =	vld [tilespmem:s1+$0x19300]  }
0x39: {  	v4 =	vld [tilespmem:s1+$0x19100]  }
0x3a: {  	v5 =	vld [tilespmem:s1+$0x18D00]  }
0x3b: {  	v1 =	vld.idx.msk [tilespmem:v1+s4+$0x0], $0xffff  }
0x3c: {  	v2 =	vld.idx.msk [tilespmem:v2+s4+$0x0], $0xffff  }
0x3d: {  	v6 =	vld [tilespmem:s1+$0x18F00];
	_ =	sdelay $0x3  }
.Ltmp1:
0x3e: {  	v5 =	vmul.f32 v5, v1;
	v1 =	vmul.f32 v4, v1;
	(pc) =	sbr.rel @p0 .LBB2_5-.Ltmp1, $3  }
0x3f: {  	v3 =	vmul.f32 v3, v2;
	v4 =	vmul.f32 v6, v2;
	_ =	sdelay $0x1  }
0x40: {  	s0 =	sadd.s32 $0x10, s0;
	v1 =	vadd.f32 v3, v1;
	v2 =	vadd.f32 v4, v5  }
0x41: {  	s7 =	sshrl.u32 s30, $0x2;
	s2 =	sshra.s32 s11, $0x2;
	s1 =	smov.u32 s12  }
0x42: {  	s0 =	sand.u32 $0x180, s7;
	[tilespmem:s2+$0x19700] =	vst v2  }
0x43: {  	[tilespmem:s2+$0x19900] =	vst v1;
	s0 =	sor.u32 s31, s0  }
0x44: {  	v1 =	vld [tilespmem:s0+$0x18700];
	_ =	sdelay $0x4  }
0x45: {  	v2 =	vadd.s32 $0x1, v1  }
0x46: {  	v3 =	vld [tilespmem:s0+$0x19300]  }
0x47: {  	v4 =	vld [tilespmem:s0+$0x18D00]  }
0x48: {  	v5 =	vld [tilespmem:s0+$0x18F00]  }
0x49: {  	v1 =	vld.idx.msk [tilespmem:v1+s4+$0x0], $0xffff  }
0x4a: {  	v2 =	vld.idx.msk [tilespmem:v2+s4+$0x0], $0xffff  }
0x4b: {  	v6 =	vld [tilespmem:s0+$0x19100];
	_ =	sdelay $0x3  }
0x4c: {  	v4 =	vmul.f32 v4, v1;
	v5 =	vmul.f32 v5, v2  }
0x4d: {  	v1 =	vmul.f32 v6, v1;
	v2 =	vmul.f32 v3, v2  }
0x4e: {  	v3 =	vadd.f32 v5, v4  }
0x4f: {  	s10 =	sshra.s32 s30, $0x2;
	v1 =	vadd.f32 v2, v1  }
0x50: {  	p0 =	seq.s32 s29, $0x0;
	[tilespmem:s10+$0x19700] =	vst v3  }
0x51: {  	s0 =	simm.s32 @!p0 $0x2;
	[tilespmem:s10+$0x19900] =	vst v1  }
0x52: {  	_ =	swait.ge @!p0 [sflag:s0], $0x200  }
0x53: {  	s30 =	sshll.u32 s29, $0x1;
	[sflag:s0] =	ssyncset.done @!p0 $0x0  }
0x54: {  	s1 =	sadd.s32 s30, s8;
	[sflag:s0] =	ssyncadd.s32 @!p0 $0xFFFFFE00  }
0x55: {  	s1 =	sshll.u32 s1, $0x9;
	_ =	swait.ge @!p0 [sflag:s0], $0x200  }
0x56: {  	s12 =	simm.s32 $0x19B00;
	s1 =	sand.u32 $0x1FFFFE00, s1;
	[sflag:s0] =	ssyncset.done @!p0 $0x0  }
0x57: {  	s11 =	sadd.s32 s5, s1;
	s1 =	simm.s32 $0x0;
	[sflag:s0] =	ssyncadd.s32 @!p0 $0xFFFFFE00  }
0x58: {  	[tilespmem:s12], [sflag:$0x1] =	stream.linear.gather [hbm4b:s11+s1], $0x1000, $0x38;
	[tilespmem:$0x1E000] =	vst v63  }
0x59: {  	s2 =	simm.s32 $0x18900;
	s6 =	simm.s32 $0x19700  }
0x5a: {  	[spmem:s3] =	stream.indirect.scatter.add.f32 [tilespmem:s6], [sflag:$0x2], $0x1, s2, s17, $0xb8;
	[tilespmem:$0x1E000] =	vst v63  }
0x5b: {  	s7 =	simm.s32 $0x18B00;
	s10 =	simm.s32 $0x19900  }
0x5c: {  	[spmem:s3] =	stream.indirect.scatter.add.f32 [tilespmem:s10], [sflag:$0x2], $0x1, s7, s17, $0xb8;
	[tilespmem:$0x1E000] =	vst v63  }
0x5d: {  	s11 =	simm.s32 $0x18980;
	s12 =	simm.s32 $0x19780  }
0x5e: {  	[spmem:s3] =	stream.indirect.scatter.add.f32 [tilespmem:s12], [sflag:$0x2], $0x1, s11, s17, $0xb8;
	[tilespmem:$0x1E000] =	vst v63  }
0x5f: {  	s2 =	simm.s32 $0x18B80;
	s6 =	simm.s32 $0x19980  }
0x60: {  	[spmem:s3] =	stream.indirect.scatter.add.f32 [tilespmem:s6], [sflag:$0x2], $0x1, s2, s17, $0xb8;
	[tilespmem:$0x1E000] =	vst v63  }
0x61: {  	s7 =	simm.s32 $0x18A00;
	s10 =	simm.s32 $0x19800  }
0x62: {  	[spmem:s3] =	stream.indirect.scatter.add.f32 [tilespmem:s10], [sflag:$0x2], $0x1, s7, s17, $0xb8;
	[tilespmem:$0x1E000] =	vst v63  }
0x63: {  	s11 =	simm.s32 $0x18C00;
	s12 =	simm.s32 $0x19A00  }
0x64: {  	[spmem:s3] =	stream.indirect.scatter.add.f32 [tilespmem:s12], [sflag:$0x2], $0x1, s11, s17, $0xb8;
	[tilespmem:$0x1E000] =	vst v63  }
0x65: {  	s2 =	simm.s32 $0x18A80;
	s6 =	simm.s32 $0x19880  }
0x66: {  	[spmem:s3] =	stream.indirect.scatter.add.f32 [tilespmem:s6], [sflag:$0x2], $0x1, s2, s17, $0xb8;
	[tilespmem:$0x1E000] =	vst v63  }
0x67: {  	s7 =	simm.s32 $0x18C80;
	s10 =	simm.s32 $0x19A80  }
0x68: {  	[spmem:s3] =	stream.indirect.scatter.add.f32 [tilespmem:s10], [sflag:$0x2], $0x1, s7, s17, $0xb8;
	[tilespmem:$0x1E000] =	vst v63  }
0x69: {  	s11 =	simm.s32 $0x0;
	_ =	swait.ge [sflag:s15], $0x1000  }
0x6a: {  	s1 =	sand.u32 $0x70, s1;
	s0 =	sand.u32 $0x180, s11;
	[sflag:s15] =	ssyncset.done $0x0  }
0x6b: {  	s0 =	sor.u32 s1, s0;
	[sflag:s15] =	ssyncadd.s32 $0xFFFFF000  }
0x6c: {  	v1 =	vld [tilespmem:s0+$0x19B00];
	_ =	sdelay $0x4  }
0x6d: {  	v3 =	vld [tilespmem:s0+$0x1A700];
	v2 =	vadd.s32 $0x1, v1  }
0x6e: {  	v60 =	vld [tilespmem:s0+$0x1A500]  }
0x6f: {  	v61 =	vld [tilespmem:s0+$0x1A100]  }
0x70: {  	v62 =	vld [tilespmem:s0+$0x1A300]  }
0x71: {  	v1 =	vld.idx.msk [tilespmem:v1+s4+$0x0], $0xffff  }
0x72: {  	v2 =	vld.idx.msk [tilespmem:v2+s4+$0x0], $0xffff;
	_ =	sdelay $0x3  }
0x73: {  	v5 =	vmul.f32 v61, v1;
	v1 =	vmul.f32 v60, v1  }
0x74: {  	s31 =	simm.s32 $0x40;
	v63 =	vmul.f32 v62, v2;
	v3 =	vmul.f32 v3, v2  }
0x75: {  	s12 =	simm.s32 $0x10;
	s2 =	simm.s32 $0x20;
	s1 =	simm.s32 $0x0  }
0x76: {  	s7 =	simm.s32 $0x80;
	s10 =	simm.s32 $0x10;
	s0 =	sand.u32 $0x70, s12;
	v2 =	vadd.f32 v63, v5;
	v1 =	vadd.f32 v3, v1  }
.LBB2_7:
0x77: {  	s11 =	sand.u32 $0x70, s2;
	s10 =	sand.u32 $0x180, s10  }
0x78: {  	[tilespmem:s1+$0x1AB00] =	vst v2;
	s12 =	smov.u32 s31;
	s31 =	smov.u32 s7;
	s6 =	sadd.s32 $0x40, s7  }
0x79: {  	p0 =	sne.s32 s7, $0x7C0;
	s7 =	sor.u32 s0, s10;
	[tilespmem:s1+$0x1AD00] =	vst v1;
	s0 =	smov.u32 s11  }
0x7a: {  	v1 =	vld [tilespmem:s7+$0x19B00];
	_ =	sdelay $0x4  }
0x7b: {  	v2 =	vadd.s32 $0x1, v1  }
0x7c: {  	v3 =	vld [tilespmem:s7+$0x1A700]  }
0x7d: {  	v4 =	vld [tilespmem:s7+$0x1A500]  }
0x7e: {  	v5 =	vld [tilespmem:s7+$0x1A100]  }
0x7f: {  	v1 =	vld.idx.msk [tilespmem:v1+s4+$0x0], $0xffff  }
0x80: {  	v2 =	vld.idx.msk [tilespmem:v2+s4+$0x0], $0xffff  }
0x81: {  	v6 =	vld [tilespmem:s7+$0x1A300];
	_ =	sdelay $0x3  }
.Ltmp2:
0x82: {  	v5 =	vmul.f32 v5, v1;
	v1 =	vmul.f32 v4, v1;
	(pc) =	sbr.rel @p0 .LBB2_7-.Ltmp2, $3  }
0x83: {  	v3 =	vmul.f32 v3, v2;
	v4 =	vmul.f32 v6, v2;
	_ =	sdelay $0x1  }
0x84: {  	s2 =	sadd.s32 $0x10, s2;
	v1 =	vadd.f32 v3, v1;
	v2 =	vadd.f32 v4, v5  }
0x85: {  	s10 =	sshrl.u32 s31, $0x2;
	s1 =	sshra.s32 s12, $0x2;
	s7 =	smov.u32 s6  }
0x86: {  	s2 =	sand.u32 $0x180, s10;
	[tilespmem:s1+$0x1AB00] =	vst v2  }
0x87: {  	[tilespmem:s1+$0x1AD00] =	vst v1;
	s0 =	sor.u32 s0, s2  }
0x88: {  	v1 =	vld [tilespmem:s0+$0x19B00];
	_ =	sdelay $0x4  }
0x89: {  	v2 =	vadd.s32 $0x1, v1  }
0x8a: {  	v3 =	vld [tilespmem:s0+$0x1A700]  }
0x8b: {  	v4 =	vld [tilespmem:s0+$0x1A100]  }
0x8c: {  	v5 =	vld [tilespmem:s0+$0x1A300]  }
0x8d: {  	v1 =	vld.idx.msk [tilespmem:v1+s4+$0x0], $0xffff  }
0x8e: {  	v2 =	vld.idx.msk [tilespmem:v2+s4+$0x0], $0xffff  }
0x8f: {  	v6 =	vld [tilespmem:s0+$0x1A500];
	_ =	sdelay $0x3  }
0x90: {  	v4 =	vmul.f32 v4, v1;
	v5 =	vmul.f32 v5, v2  }
0x91: {  	v1 =	vmul.f32 v6, v1;
	v2 =	vmul.f32 v3, v2  }
0x92: {  	v3 =	vadd.f32 v5, v4  }
0x93: {  	s7 =	sshra.s32 s31, $0x2;
	v1 =	vadd.f32 v2, v1  }
0x94: {  	[tilespmem:s7+$0x1AB00] =	vst v3  }
0x95: {  	[tilespmem:s7+$0x1AD00] =	vst v1  }
0x96: {  	_ =	swait.ge [sflag:s14], $0x200  }
0x97: {  	p0 =	seq.s32 s29, $0x30;
	[sflag:s14] =	ssyncset.done $0x0  }
0x98: {  	s0 =	sadd.s32 @!p0 s30, s9;
	[sflag:s14] =	ssyncadd.s32 $0xFFFFFE00  }
0x99: {  	s0 =	sshll.u32 @!p0 s0, $0x9;
	_ =	swait.ge [sflag:s14], $0x200  }
0x9a: {  	s1 =	simm.s32 @!p0 $0x0;
	s0 =	sand.u32 @!p0 $0x1FFFFC00, s0;
	[sflag:s14] =	ssyncset.done $0x0  }
0x9b: {  	s2 =	simm.s32 @!p0 $0x18700;
	s0 =	sadd.s32 @!p0 s5, s0;
	[sflag:s14] =	ssyncadd.s32 $0xFFFFFE00  }
0x9c: {  	[tilespmem:s2], [sflag:$0x1] =	stream.linear.gather @!p0 [hbm4b:s0+s1], $0x1000, $0x38;
	[tilespmem:$0x1E000] =	vst v63  }
0x9d: {  	s10 =	simm.s32 $0x19D00;
	s11 =	simm.s32 $0x1AB00  }
0x9e: {  	[spmem:s3] =	stream.indirect.scatter.add.f32 [tilespmem:s11], [sflag:$0x2], $0x1, s10, s17, $0xb8;
	[tilespmem:$0x1E000] =	vst v63  }
0x9f: {  	s12 =	simm.s32 $0x19F00;
	s30 =	simm.s32 $0x1AD00  }
0xa0: {  	[spmem:s3] =	stream.indirect.scatter.add.f32 [tilespmem:s30], [sflag:$0x2], $0x1, s12, s17, $0xb8;
	[tilespmem:$0x1E000] =	vst v63  }
0xa1: {  	s31 =	simm.s32 $0x19D80  }
0xa2: {  	[spmem:s3] =	stream.indirect.scatter.add.f32 [tilespmem:s13], [sflag:$0x2], $0x1, s31, s17, $0xb8;
	[tilespmem:$0x1E000] =	vst v63  }
0xa3: {  	_ = 	snop  }
0xa4: {  	[spmem:s3] =	stream.indirect.scatter.add.f32 [tilespmem:s18], [sflag:$0x2], $0x1, s16, s17, $0xb8;
	[tilespmem:$0x1E000] =	vst v63  }
0xa5: {  	s29 =	sadd.s32 $0x1, s29  }
0xa6: {  	[spmem:s3] =	stream.indirect.scatter.add.f32 [tilespmem:s20], [sflag:$0x2], $0x1, s19, s17, $0xb8;
	[tilespmem:$0x1E000] =	vst v63  }
0xa7: {  	p0 =	sne.s32 s29, $0x31  }
0xa8: {  	[spmem:s3] =	stream.indirect.scatter.add.f32 [tilespmem:s22], [sflag:$0x2], $0x1, s21, s17, $0xb8;
	[tilespmem:$0x1E000] =	vst v63  }
.Ltmp3:
0xa9: {  	_ = 	snop;
	(pc) =	sbr.rel @p0 .LBB2_4-.Ltmp3, $4  }
0xaa: {  	_ = 	snop  }
0xab: {  	[spmem:s3] =	stream.indirect.scatter.add.f32 [tilespmem:s24], [sflag:$0x2], $0x1, s23, s17, $0xb8;
	[tilespmem:$0x1E000] =	vst v63  }
0xac: {  	_ = 	snop  }
0xad: {  	[spmem:s3] =	stream.indirect.scatter.add.f32 [tilespmem:s26], [sflag:$0x2], $0x1, s25, s17, $0xb8;
	[tilespmem:$0x1E000] =	vst v63  }
0xae: {  	_ =	swait.ge [sflag:s14], $0x200  }
0xaf: {  	[sflag:s14] =	ssyncset.done $0x0  }
0xb0: {  	[sflag:s14] =	ssyncadd.s32 $0xFFFFFE00  }
0xb1: {  	_ =	swait.ge [sflag:s14], $0x200  }
0xb2: {  	[sflag:s14] =	ssyncset.done $0x0  }
0xb3: {  	[sflag:s14] =	ssyncadd.s32 $0xFFFFFE00  }
0xb4: {  	[bflag:$0x0] =	sbarrier.arrive $0xFFFF  }
0xb5: {  	s2 =	simm.s32 $0x1AF00;
	s6 =	simm.s32 $0x3;
	s7 =	rddreg [dreg:$0x4]  }
0xb6: {  	[tilespmem:s2], [sflag:$0x3] =	stream.linear.gather [spmem:s7], $0x1880, $0x38;
	[tilespmem:$0x1E000] =	vst v63  }
0xb7: {  	_ =	swait.ge [sflag:s6], $0x1880  }
0xb8: {  	[sflag:s6] =	ssyncset.done $0x0  }
0xb9: {  	s1 =	simm.s32 $0x100;
	s0 =	rddreg [dreg:$0x6];
	[sflag:s6] =	ssyncadd.s32 $0xFFFFE780  }
0xba: {  	[hbm4b:s0+s17] =	stream.strided.scatter [tilespmem:s2], [sflag:$0x3], $0x1880, s1, s17, $0x38;
	[tilespmem:$0x1E000] =	vst v63  }
0xbb: {  	_ =	swait.ge [sflag:s6], $0x1880  }
0xbc: {  	s30 =	rddreg [dreg:$0x8]  }
0xbd: {  	s31 =	rddreg [dreg:$0x7];
	s1 =	sadd.s32 $0x1, s30  }
0xbe: {  	p0 =	sne.s32 s1, s31  }
.Ltmp4:
0xbf: {  	_ = 	snop;
	(pc) =	sbr.rel @p0 .LBB2_1-.Ltmp4, $3  }
0xc0: {  	_ =	sdelay $0x1  }
0xc1: {  	[sflag:s6] =	ssyncset.done $0x0  }
0xc2: {  	[sflag:s6] =	ssyncadd.s32 $0xFFFFE780  }
0xc3: {  	_ =	sfence.sel $0x180000  }
0xc4: {  	[bflag:$0x0] =	sbarrier.arrive $0xFFFF  }
0xc5: {  	_ =	strace $0x90000047  }
0xc6: {  	s0 =	stileid.u32;
	[bflag:$0x2] =	sbarrier.arrive $0xFFFF  }
0xc7: {  	p0 =	sne.s32 s0, $0x0;
	s0 =	rddreg [dreg:$0x3]  }
0xc8: {  	s0 =	sadd.s32 @!p0 $0x100000, s0  }
0xc9: {  	[sflag:s0] =	ssyncadd.tile.s32 @!p0 $0x1;
	_ =	shalt  }
.Lfunc_end2:
_tile_overlayer_lowered:
.L_overlay_start_2:
0xca: {  	(tag) =	ssettag $0x2  }
0xcb: {  	s0 =	rddreg [dreg:$0x0];
	s2 =	stileid.u32  }
0xcc: {  	s1 =	rddreg [dreg:$0x1];
	p0 =	sne.s32 s2, $0x0  }
0xcd: {  	s3 =	rddreg [dreg:$0x2];
	[bflag:$0x3] =	sbarrier.arrive $0xFFFF;
	s2 =	simm.s32 @!p0 $0x1C03  }
0xce: {  	[timem:s3], [sflag:s2] =	dma.local @!p0 [hbm:s0], s1  }
0xcf: {  	s0 =	simm.s32 @!p0 $0x3  }
0xd0: {  	_ =	swait.ge @!p0 [sflag:s0], s1  }
0xd1: {  	s1 =	ssub.s32 @!p0 $0x0, s1;
	[sflag:s0] =	ssyncset.done @!p0 $0x0  }
0xd2: {  	[sflag:s0] =	ssyncadd.s32 @!p0 s1  }
0xd3: {  	[bflag:$0x3] =	sbarrier.arrive $0xFFFF  }
0xd4: {  	_ =	shalt  }

</sc_bundles>
